<compile_context>
chip_gen: v7x
topology: tpu7x:2x2x1
jax: 0.10.2.dev20260603
libtpu: 0.0.44.dev20260713+nightly
codegen_flags: <defaults>
</compile_context>

<pallas_src>
import functools

import jax
import jax.numpy as jnp
from jax import lax
from jax.experimental import pallas as pl
from jax.experimental.pallas import tpu as pltpu
from jax.experimental.pallas import tpu_sc as plsc

_N, _C, _H, _W = 8, 19, 512, 512
_HW = _H * _W
_LANES = 128
_ROWS = _HW // _LANES
_TR = 1024
_K = _ROWS // _TR
_CPAD = 24

_NC, _NS, _L = 2, 16, 16
_NW = _NC * _NS
_IDS_PER_W = (_N * _HW) // _NW
_QT_PER_IMG = _NW // _N


def _main_body(x_ref, q_ref, idx_ref, e_ref):
    k = pl.program_id(1)

    @pl.when(k == 0)
    def _init():
        q_ref[...] = jnp.zeros_like(q_ref)

    x = x_ref[0]

    m = x[0]
    for c in range(1, _C):
        m = jnp.maximum(m, x[c])

    s = jnp.zeros_like(m)
    idx = jnp.zeros(m.shape, jnp.int32)
    for c in range(_C):
        e = jnp.exp(x[c] - m)
        e_ref[c] = e
        s = s + e
        idx = jnp.where(e == 1.0, c, idx)
    r2 = 1.0 / (s * s)
    idx_ref[0] = idx

    qrows = []
    for c in range(_C):
        e = e_ref[c]
        qrows.append(jnp.sum(e * e * r2, axis=0, keepdims=True))
    zpad = [jnp.zeros((1, _LANES), jnp.float32)] * (_CPAD - _C)
    q_ref[...] = q_ref[...] + jnp.concatenate(qrows + zpad, axis=0)[None]


def _sc_hist_body(idx_hbm, out_hbm, idx_v, hist_v, sem):
    wid = lax.axis_index("s") * _NC + lax.axis_index("c")
    img = wid // _QT_PER_IMG
    qt = wid % _QT_PER_IMG

    pltpu.sync_copy(idx_hbm.at[pl.ds(wid * _IDS_PER_W, _IDS_PER_W)], idx_v)

    for c in range(_CPAD):
        hist_v[c, :] = jnp.zeros((_L,), jnp.float32)

    lane = lax.iota(jnp.int32, _L)
    ones = jnp.ones((_L,), jnp.float32)

    def body(i, carry):
        base = i * (8 * _L)
        for j in range(8):
            iv = idx_v[pl.ds(base + j * _L, _L)]
            plsc.addupdate_scatter(hist_v, [iv, lane], ones)
        return carry

    lax.fori_loop(0, _IDS_PER_W // (8 * _L), body, 0)

    pltpu.sync_copy(hist_v, out_hbm.at[qt, img])


_sc_hist = functools.partial(
    pl.kernel,
    out_type=jax.ShapeDtypeStruct((_QT_PER_IMG, _N, _CPAD, _L), jnp.float32),
    mesh=plsc.VectorSubcoreMesh(core_axis_name="c", subcore_axis_name="s"),
    scratch_types=[
        pltpu.VMEM((_IDS_PER_W,), jnp.int32),
        pltpu.VMEM((_CPAD, _L), jnp.float32),
        pltpu.SemaphoreType.DMA,
    ],
    compiler_params=pltpu.CompilerParams(needs_layout_passes=False),
)(_sc_hist_body)


def _combine_body(q_ref, sh_ref, o_ref):
    q = jnp.sum(q_ref[...], axis=2)
    h = jnp.sum(sh_ref[0], axis=2)
    for t in range(1, _QT_PER_IMG):
        h = h + jnp.sum(sh_ref[t], axis=2)
    col = jax.lax.broadcasted_iota(jnp.int32, (_N, _CPAD), 1)
    mask = col < _C
    hadj = jnp.where(h == 0.0, 1.0, h)
    total = jnp.sum(jnp.where(mask, hadj, 0.0), axis=1, keepdims=True)
    w = jnp.exp(0.2 * (jnp.log(total) - jnp.log(hadj)))
    loss = -jnp.sum(jnp.where(mask, w * q, 0.0))
    o_ref[0, 0] = loss * (1.0 / (_N * _C * _H * _W))


def kernel(inputs):
    x = inputs.reshape(_N, _C, _ROWS, _LANES)
    ssq, idx = pl.pallas_call(
        _main_body,
        grid=(_N, _K),
        in_specs=[
            pl.BlockSpec((1, _C, _TR, _LANES), lambda n, k: (n, 0, k, 0)),
        ],
        out_specs=[
            pl.BlockSpec((1, _CPAD, _LANES), lambda n, k: (n, 0, 0)),
            pl.BlockSpec((1, _TR, _LANES), lambda n, k: (n, k, 0)),
        ],
        out_shape=[
            jax.ShapeDtypeStruct((_N, _CPAD, _LANES), jnp.float32),
            jax.ShapeDtypeStruct((_N, _ROWS, _LANES), jnp.int32),
        ],
        scratch_shapes=[pltpu.VMEM((_C, _TR, _LANES), jnp.float32)],
        compiler_params=pltpu.CompilerParams(
            dimension_semantics=("parallel", "arbitrary"),
        ),
    )(x)

    schist = _sc_hist(idx.reshape(-1))

    out = pl.pallas_call(
        _combine_body,
        out_shape=jax.ShapeDtypeStruct((1, 1), jnp.float32),
        out_specs=pl.BlockSpec(memory_space=pltpu.SMEM),
    )(ssq, schist)
    return out[0, 0]

# --- scband reference (transcript-rebuilt; emitter-appended) ---
"""Pipeline reference for scband-iwmax-squareloss-20512763806262 (READ-ONLY COPY).

The authoritative reference and input builder live on the scoring server;
editing this copy changes nothing except your own understanding.
"""

import jax, jax.numpy as jnp
import numpy as np

RATIO = 0.2


def setup_inputs(seed: int = 0) -> dict:
    key = jax.random.key(seed)
    inputs = jax.random.normal(key, (8, 19, 512, 512), dtype=jnp.float32)
    return {"inputs": inputs}


def reference(inputs):
    # softmax over channel dim
    p = jax.nn.softmax(inputs, axis=1)
    N, C, H, W = p.shape
    argpred = jnp.argmax(p, axis=1)  # (N, H, W) int
    flat = argpred.reshape(N, -1)
    # per-image histogram of predicted classes via scatter-add
    hist = jnp.zeros((N, C), dtype=jnp.float32).at[jnp.arange(N)[:, None], flat].add(1.0)
    hist = jnp.where(hist == 0, 1.0, hist)
    weights = jnp.power(jnp.sum(hist, axis=1, keepdims=True) / hist, RATIO)  # (N, C)
    weights = jax.lax.stop_gradient(weights)
    loss = -jnp.power(p, 2) * weights[:, :, None, None]
    return jnp.mean(loss)

if __name__ == "__main__":
    import jax
    _d = setup_inputs()
    print(jax.jit(kernel)(*tuple(_d.values())))

</pallas_src>

<mosaic_0001>
#map = affine_map<(d0, d1) -> (0)>
#map1 = affine_map<(d0, d1) -> (0, 0, 0, 0)>
module attributes {stable_mosaic.version = 14 : i64} {
  func.func @_sc_hist_body(%arg0: i32, %arg1: i32, %arg2: memref<2097152xi32, #tpu.memory_space<hbm>>, %arg3: memref<4x8x24x16xf32, #tpu.memory_space<hbm>>, %arg4: memref<65536xi32, #tpu.memory_space<vmem>>, %arg5: memref<24x16xf32, #tpu.memory_space<vmem>>, %arg6: memref<!tpu.dma_semaphore, #tpu.memory_space<semaphore_mem>>) attributes {dimension_semantics = [#tpu.dimension_semantics<core_parallel>, #tpu.dimension_semantics<subcore_parallel>], iteration_bounds = array<i64: 2, 16>, scalar_prefetch = 0 : i64, scratch_operands = 3 : i64, tpu.core_type = #tpu.core_type<sc_vector_subcore>, window_params = [{transform_indices = #map}, {transform_indices = #map1}]} {
    %mul3A = arith.constant 2 : i32
    %mul3A_0 = arith.muli %arg1, %mul3A : i32
    %add3A = arith.addi %mul3A_0, %arg0 : i32
    %jit3A = arith.constant 4 : i32
    %div3A = arith.divsi %add3A, %jit3A : i32
    %sign3A = arith.constant 0 : i32
    %sign3A_1 = arith.cmpi sgt, %add3A, %sign3A : i32
    %sign3A_2 = arith.extui %sign3A_1 : i1 to i32
    %sign3A_3 = arith.constant 0 : i32
    %sign3A_4 = arith.cmpi slt, %add3A, %sign3A_3 : i32
    %sign3A_5 = arith.extui %sign3A_4 : i1 to i32
    %sign3A_6 = arith.subi %sign3A_2, %sign3A_5 : i32
    %sign3A_7 = arith.constant 0 : i32
    %sign3A_8 = arith.cmpi sgt, %jit3A, %sign3A_7 : i32
    %sign3A_9 = arith.extui %sign3A_8 : i1 to i32
    %sign3A_10 = arith.constant 0 : i32
    %sign3A_11 = arith.cmpi slt, %jit3A, %sign3A_10 : i32
    %sign3A_12 = arith.extui %sign3A_11 : i1 to i32
    %sign3A_13 = arith.subi %sign3A_9, %sign3A_12 : i32
    %ne3A = arith.cmpi ne, %sign3A_6, %sign3A_13 : i32
    %rem3A = arith.remsi %add3A, %jit3A : i32
    %ne3A_14 = arith.constant 0 : i32
    %ne3A_15 = arith.cmpi ne, %rem3A, %ne3A_14 : i32
    %and3A = arith.andi %ne3A, %ne3A_15 : i1
    %sub3A = arith.constant 1 : i32
    %sub3A_16 = arith.subi %div3A, %sub3A : i32
    %select_n3A = arith.select %and3A, %sub3A_16, %div3A : i32
    %jit3A_17 = arith.constant 4 : i32
    %eq3A = arith.constant 0 : i32
    %eq3A_18 = arith.cmpi eq, %jit3A_17, %eq3A : i32
    %jit3A_19 = arith.constant 1 : i32
    %select_n3A_20 = arith.select %eq3A_18, %jit3A_19, %jit3A_17 : i32
    %rem3A_21 = arith.remsi %add3A, %select_n3A_20 : i32
    %ne3A_22 = arith.constant 0 : i32
    %ne3A_23 = arith.cmpi ne, %rem3A_21, %ne3A_22 : i32
    %lt3A = arith.constant 0 : i32
    %lt3A_24 = arith.cmpi slt, %rem3A_21, %lt3A : i32
    %lt3A_25 = arith.constant 0 : i32
    %lt3A_26 = arith.cmpi slt, %select_n3A_20, %lt3A_25 : i32
    %ne3A_27 = arith.xori %lt3A_24, %lt3A_26 : i1
    %and3A_28 = arith.andi %ne3A_27, %ne3A_23 : i1
    %add3A_29 = arith.addi %rem3A_21, %select_n3A_20 : i32
    %select_n3A_30 = arith.select %and3A_28, %add3A_29, %rem3A_21 : i32
    %mul3A_31 = arith.constant 65536 : i32
    %mul3A_32 = arith.muli %add3A, %mul3A_31 : i32
    "tpu.region"() ({
      %run_scoped3A = tpu.sem_alloc : memref<!tpu.dma_semaphore, #tpu.memory_space<semaphore_mem>>
      %dma_start3A = tpu.memref_slice %arg2[%mul3A_32] : memref<2097152xi32, #tpu.memory_space<hbm>> -> memref<65536xi32, #tpu.memory_space<hbm>>
      %dma_start3A_182 = tpu.memref_slice %arg2[%mul3A_32] : memref<2097152xi32, #tpu.memory_space<hbm>> -> memref<65536xi32, #tpu.memory_space<hbm>>
      tpu.enqueue_dma source(%dma_start3A_182 : memref<65536xi32, #tpu.memory_space<hbm>>) target(%arg4 : memref<65536xi32, #tpu.memory_space<vmem>>) target_semaphore(%run_scoped3A : memref<!tpu.dma_semaphore, #tpu.memory_space<semaphore_mem>>)
      %dma_wait3A = tpu.memref_slice %arg2[%mul3A_32] : memref<2097152xi32, #tpu.memory_space<hbm>> -> memref<65536xi32, #tpu.memory_space<hbm>>
      %dma_wait3A_183 = tpu.memref_slice %arg2[%mul3A_32] : memref<2097152xi32, #tpu.memory_space<hbm>> -> memref<65536xi32, #tpu.memory_space<hbm>>
      tpu.wait_dma2 semaphore(%run_scoped3A : memref<!tpu.dma_semaphore, #tpu.memory_space<semaphore_mem>>) src(%dma_wait3A_183 : memref<65536xi32, #tpu.memory_space<hbm>>) dst(%arg4 : memref<65536xi32, #tpu.memory_space<vmem>>)
      tpu.yield
    }) : () -> ()
    %broadcast_in_dim3A = arith.constant 0.000000e+00 : f32
    %broadcast_in_dim3A_33 = vector.broadcast %broadcast_in_dim3A : f32 to vector<16xf32>
    %swap3A = arith.constant 0 : i32
    %swap3A_34 = arith.index_cast %swap3A : i32 to index
    %swap3A_35 = arith.constant 0 : index
    %swap3A_36 = tpu.vector_load %arg5[%swap3A_34, %swap3A_35] {strides = array<i32>} : memref<24x16xf32, #tpu.memory_space<vmem>>, vector<16xf32>,
    tpu.vector_store %arg5[%swap3A_34, %swap3A_35], %broadcast_in_dim3A_33 {strides = array<i32>} : memref<24x16xf32, #tpu.memory_space<vmem>>, vector<16xf32>,
    %broadcast_in_dim3A_37 = arith.constant 0.000000e+00 : f32
    %broadcast_in_dim3A_38 = vector.broadcast %broadcast_in_dim3A_37 : f32 to vector<16xf32>
    %swap3A_39 = arith.constant 1 : i32
    %swap3A_40 = arith.index_cast %swap3A_39 : i32 to index
    %swap3A_41 = arith.constant 0 : index
    %swap3A_42 = tpu.vector_load %arg5[%swap3A_40, %swap3A_41] {strides = array<i32>} : memref<24x16xf32, #tpu.memory_space<vmem>>, vector<16xf32>,
    tpu.vector_store %arg5[%swap3A_40, %swap3A_41], %broadcast_in_dim3A_38 {strides = array<i32>} : memref<24x16xf32, #tpu.memory_space<vmem>>, vector<16xf32>,
    %broadcast_in_dim3A_43 = arith.constant 0.000000e+00 : f32
    %broadcast_in_dim3A_44 = vector.broadcast %broadcast_in_dim3A_43 : f32 to vector<16xf32>
    %swap3A_45 = arith.constant 2 : i32
    %swap3A_46 = arith.index_cast %swap3A_45 : i32 to index
    %swap3A_47 = arith.constant 0 : index
    %swap3A_48 = tpu.vector_load %arg5[%swap3A_46, %swap3A_47] {strides = array<i32>} : memref<24x16xf32, #tpu.memory_space<vmem>>, vector<16xf32>,
    tpu.vector_store %arg5[%swap3A_46, %swap3A_47], %broadcast_in_dim3A_44 {strides = array<i32>} : memref<24x16xf32, #tpu.memory_space<vmem>>, vector<16xf32>,
    %broadcast_in_dim3A_49 = arith.constant 0.000000e+00 : f32
    %broadcast_in_dim3A_50 = vector.broadcast %broadcast_in_dim3A_49 : f32 to vector<16xf32>
    %swap3A_51 = arith.constant 3 : i32
    %swap3A_52 = arith.index_cast %swap3A_51 : i32 to index
    %swap3A_53 = arith.constant 0 : index
    %swap3A_54 = tpu.vector_load %arg5[%swap3A_52, %swap3A_53] {strides = array<i32>} : memref<24x16xf32, #tpu.memory_space<vmem>>, vector<16xf32>,
    tpu.vector_store %arg5[%swap3A_52, %swap3A_53], %broadcast_in_dim3A_50 {strides = array<i32>} : memref<24x16xf32, #tpu.memory_space<vmem>>, vector<16xf32>,
    %broadcast_in_dim3A_55 = arith.constant 0.000000e+00 : f32
    %broadcast_in_dim3A_56 = vector.broadcast %broadcast_in_dim3A_55 : f32 to vector<16xf32>
    %swap3A_57 = arith.constant 4 : i32
    %swap3A_58 = arith.index_cast %swap3A_57 : i32 to index
    %swap3A_59 = arith.constant 0 : index
    %swap3A_60 = tpu.vector_load %arg5[%swap3A_58, %swap3A_59] {strides = array<i32>} : memref<24x16xf32, #tpu.memory_space<vmem>>, vector<16xf32>,
    tpu.vector_store %arg5[%swap3A_58, %swap3A_59], %broadcast_in_dim3A_56 {strides = array<i32>} : memref<24x16xf32, #tpu.memory_space<vmem>>, vector<16xf32>,
    %broadcast_in_dim3A_61 = arith.constant 0.000000e+00 : f32
    %broadcast_in_dim3A_62 = vector.broadcast %broadcast_in_dim3A_61 : f32 to vector<16xf32>
    %swap3A_63 = arith.constant 5 : i32
    %swap3A_64 = arith.index_cast %swap3A_63 : i32 to index
    %swap3A_65 = arith.constant 0 : index
    %swap3A_66 = tpu.vector_load %arg5[%swap3A_64, %swap3A_65] {strides = array<i32>} : memref<24x16xf32, #tpu.memory_space<vmem>>, vector<16xf32>,
    tpu.vector_store %arg5[%swap3A_64, %swap3A_65], %broadcast_in_dim3A_62 {strides = array<i32>} : memref<24x16xf32, #tpu.memory_space<vmem>>, vector<16xf32>,
    %broadcast_in_dim3A_67 = arith.constant 0.000000e+00 : f32
    %broadcast_in_dim3A_68 = vector.broadcast %broadcast_in_dim3A_67 : f32 to vector<16xf32>
    %swap3A_69 = arith.constant 6 : i32
    %swap3A_70 = arith.index_cast %swap3A_69 : i32 to index
    %swap3A_71 = arith.constant 0 : index
    %swap3A_72 = tpu.vector_load %arg5[%swap3A_70, %swap3A_71] {strides = array<i32>} : memref<24x16xf32, #tpu.memory_space<vmem>>, vector<16xf32>,
    tpu.vector_store %arg5[%swap3A_70, %swap3A_71], %broadcast_in_dim3A_68 {strides = array<i32>} : memref<24x16xf32, #tpu.memory_space<vmem>>, vector<16xf32>,
    %broadcast_in_dim3A_73 = arith.constant 0.000000e+00 : f32
    %broadcast_in_dim3A_74 = vector.broadcast %broadcast_in_dim3A_73 : f32 to vector<16xf32>
    %swap3A_75 = arith.constant 7 : i32
    %swap3A_76 = arith.index_cast %swap3A_75 : i32 to index
    %swap3A_77 = arith.constant 0 : index
    %swap3A_78 = tpu.vector_load %arg5[%swap3A_76, %swap3A_77] {strides = array<i32>} : memref<24x16xf32, #tpu.memory_space<vmem>>, vector<16xf32>,
    tpu.vector_store %arg5[%swap3A_76, %swap3A_77], %broadcast_in_dim3A_74 {strides = array<i32>} : memref<24x16xf32, #tpu.memory_space<vmem>>, vector<16xf32>,
    %broadcast_in_dim3A_79 = arith.constant 0.000000e+00 : f32
    %broadcast_in_dim3A_80 = vector.broadcast %broadcast_in_dim3A_79 : f32 to vector<16xf32>
    %swap3A_81 = arith.constant 8 : i32
    %swap3A_82 = arith.index_cast %swap3A_81 : i32 to index
    %swap3A_83 = arith.constant 0 : index
    %swap3A_84 = tpu.vector_load %arg5[%swap3A_82, %swap3A_83] {strides = array<i32>} : memref<24x16xf32, #tpu.memory_space<vmem>>, vector<16xf32>,
    tpu.vector_store %arg5[%swap3A_82, %swap3A_83], %broadcast_in_dim3A_80 {strides = array<i32>} : memref<24x16xf32, #tpu.memory_space<vmem>>, vector<16xf32>,
    %broadcast_in_dim3A_85 = arith.constant 0.000000e+00 : f32
    %broadcast_in_dim3A_86 = vector.broadcast %broadcast_in_dim3A_85 : f32 to vector<16xf32>
    %swap3A_87 = arith.constant 9 : i32
    %swap3A_88 = arith.index_cast %swap3A_87 : i32 to index
    %swap3A_89 = arith.constant 0 : index
    %swap3A_90 = tpu.vector_load %arg5[%swap3A_88, %swap3A_89] {strides = array<i32>} : memref<24x16xf32, #tpu.memory_space<vmem>>, vector<16xf32>,
    tpu.vector_store %arg5[%swap3A_88, %swap3A_89], %broadcast_in_dim3A_86 {strides = array<i32>} : memref<24x16xf32, #tpu.memory_space<vmem>>, vector<16xf32>,
    %broadcast_in_dim3A_91 = arith.constant 0.000000e+00 : f32
    %broadcast_in_dim3A_92 = vector.broadcast %broadcast_in_dim3A_91 : f32 to vector<16xf32>
    %swap3A_93 = arith.constant 10 : i32
    %swap3A_94 = arith.index_cast %swap3A_93 : i32 to index
    %swap3A_95 = arith.constant 0 : index
    %swap3A_96 = tpu.vector_load %arg5[%swap3A_94, %swap3A_95] {strides = array<i32>} : memref<24x16xf32, #tpu.memory_space<vmem>>, vector<16xf32>,
    tpu.vector_store %arg5[%swap3A_94, %swap3A_95], %broadcast_in_dim3A_92 {strides = array<i32>} : memref<24x16xf32, #tpu.memory_space<vmem>>, vector<16xf32>,
    %broadcast_in_dim3A_97 = arith.constant 0.000000e+00 : f32
    %broadcast_in_dim3A_98 = vector.broadcast %broadcast_in_dim3A_97 : f32 to vector<16xf32>
    %swap3A_99 = arith.constant 11 : i32
    %swap3A_100 = arith.index_cast %swap3A_99 : i32 to index
    %swap3A_101 = arith.constant 0 : index
    %swap3A_102 = tpu.vector_load %arg5[%swap3A_100, %swap3A_101] {strides = array<i32>} : memref<24x16xf32, #tpu.memory_space<vmem>>, vector<16xf32>,
    tpu.vector_store %arg5[%swap3A_100, %swap3A_101], %broadcast_in_dim3A_98 {strides = array<i32>} : memref<24x16xf32, #tpu.memory_space<vmem>>, vector<16xf32>,
    %broadcast_in_dim3A_103 = arith.constant 0.000000e+00 : f32
    %broadcast_in_dim3A_104 = vector.broadcast %broadcast_in_dim3A_103 : f32 to vector<16xf32>
    %swap3A_105 = arith.constant 12 : i32
    %swap3A_106 = arith.index_cast %swap3A_105 : i32 to index
    %swap3A_107 = arith.constant 0 : index
    %swap3A_108 = tpu.vector_load %arg5[%swap3A_106, %swap3A_107] {strides = array<i32>} : memref<24x16xf32, #tpu.memory_space<vmem>>, vector<16xf32>,
    tpu.vector_store %arg5[%swap3A_106, %swap3A_107], %broadcast_in_dim3A_104 {strides = array<i32>} : memref<24x16xf32, #tpu.memory_space<vmem>>, vector<16xf32>,
    %broadcast_in_dim3A_109 = arith.constant 0.000000e+00 : f32
    %broadcast_in_dim3A_110 = vector.broadcast %broadcast_in_dim3A_109 : f32 to vector<16xf32>
    %swap3A_111 = arith.constant 13 : i32
    %swap3A_112 = arith.index_cast %swap3A_111 : i32 to index
    %swap3A_113 = arith.constant 0 : index
    %swap3A_114 = tpu.vector_load %arg5[%swap3A_112, %swap3A_113] {strides = array<i32>} : memref<24x16xf32, #tpu.memory_space<vmem>>, vector<16xf32>,
    tpu.vector_store %arg5[%swap3A_112, %swap3A_113], %broadcast_in_dim3A_110 {strides = array<i32>} : memref<24x16xf32, #tpu.memory_space<vmem>>, vector<16xf32>,
    %broadcast_in_dim3A_115 = arith.constant 0.000000e+00 : f32
    %broadcast_in_dim3A_116 = vector.broadcast %broadcast_in_dim3A_115 : f32 to vector<16xf32>
    %swap3A_117 = arith.constant 14 : i32
    %swap3A_118 = arith.index_cast %swap3A_117 : i32 to index
    %swap3A_119 = arith.constant 0 : index
    %swap3A_120 = tpu.vector_load %arg5[%swap3A_118, %swap3A_119] {strides = array<i32>} : memref<24x16xf32, #tpu.memory_space<vmem>>, vector<16xf32>,
    tpu.vector_store %arg5[%swap3A_118, %swap3A_119], %broadcast_in_dim3A_116 {strides = array<i32>} : memref<24x16xf32, #tpu.memory_space<vmem>>, vector<16xf32>,
    %broadcast_in_dim3A_121 = arith.constant 0.000000e+00 : f32
    %broadcast_in_dim3A_122 = vector.broadcast %broadcast_in_dim3A_121 : f32 to vector<16xf32>
    %swap3A_123 = arith.constant 15 : i32
    %swap3A_124 = arith.index_cast %swap3A_123 : i32 to index
    %swap3A_125 = arith.constant 0 : index
    %swap3A_126 = tpu.vector_load %arg5[%swap3A_124, %swap3A_125] {strides = array<i32>} : memref<24x16xf32, #tpu.memory_space<vmem>>, vector<16xf32>,
    tpu.vector_store %arg5[%swap3A_124, %swap3A_125], %broadcast_in_dim3A_122 {strides = array<i32>} : memref<24x16xf32, #tpu.memory_space<vmem>>, vector<16xf32>,
    %broadcast_in_dim3A_127 = arith.constant 0.000000e+00 : f32
    %broadcast_in_dim3A_128 = vector.broadcast %broadcast_in_dim3A_127 : f32 to vector<16xf32>
    %swap3A_129 = arith.constant 16 : i32
    %swap3A_130 = arith.index_cast %swap3A_129 : i32 to index
    %swap3A_131 = arith.constant 0 : index
    %swap3A_132 = tpu.vector_load %arg5[%swap3A_130, %swap3A_131] {strides = array<i32>} : memref<24x16xf32, #tpu.memory_space<vmem>>, vector<16xf32>,
    tpu.vector_store %arg5[%swap3A_130, %swap3A_131], %broadcast_in_dim3A_128 {strides = array<i32>} : memref<24x16xf32, #tpu.memory_space<vmem>>, vector<16xf32>,
    %broadcast_in_dim3A_133 = arith.constant 0.000000e+00 : f32
    %broadcast_in_dim3A_134 = vector.broadcast %broadcast_in_dim3A_133 : f32 to vector<16xf32>
    %swap3A_135 = arith.constant 17 : i32
    %swap3A_136 = arith.index_cast %swap3A_135 : i32 to index
    %swap3A_137 = arith.constant 0 : index
    %swap3A_138 = tpu.vector_load %arg5[%swap3A_136, %swap3A_137] {strides = array<i32>} : memref<24x16xf32, #tpu.memory_space<vmem>>, vector<16xf32>,
    tpu.vector_store %arg5[%swap3A_136, %swap3A_137], %broadcast_in_dim3A_134 {strides = array<i32>} : memref<24x16xf32, #tpu.memory_space<vmem>>, vector<16xf32>,
    %broadcast_in_dim3A_139 = arith.constant 0.000000e+00 : f32
    %broadcast_in_dim3A_140 = vector.broadcast %broadcast_in_dim3A_139 : f32 to vector<16xf32>
    %swap3A_141 = arith.constant 18 : i32
    %swap3A_142 = arith.index_cast %swap3A_141 : i32 to index
    %swap3A_143 = arith.constant 0 : index
    %swap3A_144 = tpu.vector_load %arg5[%swap3A_142, %swap3A_143] {strides = array<i32>} : memref<24x16xf32, #tpu.memory_space<vmem>>, vector<16xf32>,
    tpu.vector_store %arg5[%swap3A_142, %swap3A_143], %broadcast_in_dim3A_140 {strides = array<i32>} : memref<24x16xf32, #tpu.memory_space<vmem>>, vector<16xf32>,
    %broadcast_in_dim3A_145 = arith.constant 0.000000e+00 : f32
    %broadcast_in_dim3A_146 = vector.broadcast %broadcast_in_dim3A_145 : f32 to vector<16xf32>
    %swap3A_147 = arith.constant 19 : i32
    %swap3A_148 = arith.index_cast %swap3A_147 : i32 to index
    %swap3A_149 = arith.constant 0 : index
    %swap3A_150 = tpu.vector_load %arg5[%swap3A_148, %swap3A_149] {strides = array<i32>} : memref<24x16xf32, #tpu.memory_space<vmem>>, vector<16xf32>,
    tpu.vector_store %arg5[%swap3A_148, %swap3A_149], %broadcast_in_dim3A_146 {strides = array<i32>} : memref<24x16xf32, #tpu.memory_space<vmem>>, vector<16xf32>,
    %broadcast_in_dim3A_151 = arith.constant 0.000000e+00 : f32
    %broadcast_in_dim3A_152 = vector.broadcast %broadcast_in_dim3A_151 : f32 to vector<16xf32>
    %swap3A_153 = arith.constant 20 : i32
    %swap3A_154 = arith.index_cast %swap3A_153 : i32 to index
    %swap3A_155 = arith.constant 0 : index
    %swap3A_156 = tpu.vector_load %arg5[%swap3A_154, %swap3A_155] {strides = array<i32>} : memref<24x16xf32, #tpu.memory_space<vmem>>, vector<16xf32>,
    tpu.vector_store %arg5[%swap3A_154, %swap3A_155], %broadcast_in_dim3A_152 {strides = array<i32>} : memref<24x16xf32, #tpu.memory_space<vmem>>, vector<16xf32>,
    %broadcast_in_dim3A_157 = arith.constant 0.000000e+00 : f32
    %broadcast_in_dim3A_158 = vector.broadcast %broadcast_in_dim3A_157 : f32 to vector<16xf32>
    %swap3A_159 = arith.constant 21 : i32
    %swap3A_160 = arith.index_cast %swap3A_159 : i32 to index
    %swap3A_161 = arith.constant 0 : index
    %swap3A_162 = tpu.vector_load %arg5[%swap3A_160, %swap3A_161] {strides = array<i32>} : memref<24x16xf32, #tpu.memory_space<vmem>>, vector<16xf32>,
    tpu.vector_store %arg5[%swap3A_160, %swap3A_161], %broadcast_in_dim3A_158 {strides = array<i32>} : memref<24x16xf32, #tpu.memory_space<vmem>>, vector<16xf32>,
    %broadcast_in_dim3A_163 = arith.constant 0.000000e+00 : f32
    %broadcast_in_dim3A_164 = vector.broadcast %broadcast_in_dim3A_163 : f32 to vector<16xf32>
    %swap3A_165 = arith.constant 22 : i32
    %swap3A_166 = arith.index_cast %swap3A_165 : i32 to index
    %swap3A_167 = arith.constant 0 : index
    %swap3A_168 = tpu.vector_load %arg5[%swap3A_166, %swap3A_167] {strides = array<i32>} : memref<24x16xf32, #tpu.memory_space<vmem>>, vector<16xf32>,
    tpu.vector_store %arg5[%swap3A_166, %swap3A_167], %broadcast_in_dim3A_164 {strides = array<i32>} : memref<24x16xf32, #tpu.memory_space<vmem>>, vector<16xf32>,
    %broadcast_in_dim3A_169 = arith.constant 0.000000e+00 : f32
    %broadcast_in_dim3A_170 = vector.broadcast %broadcast_in_dim3A_169 : f32 to vector<16xf32>
    %swap3A_171 = arith.constant 23 : i32
    %swap3A_172 = arith.index_cast %swap3A_171 : i32 to index
    %swap3A_173 = arith.constant 0 : index
    %swap3A_174 = tpu.vector_load %arg5[%swap3A_172, %swap3A_173] {strides = array<i32>} : memref<24x16xf32, #tpu.memory_space<vmem>>, vector<16xf32>,
    tpu.vector_store %arg5[%swap3A_172, %swap3A_173], %broadcast_in_dim3A_170 {strides = array<i32>} : memref<24x16xf32, #tpu.memory_space<vmem>>, vector<16xf32>,
    %iota3A = tpu.iota {dimensions = array<i32: 0>} : vector<16xi32>
    %broadcast_in_dim3A_175 = arith.constant 1.000000e+00 : f32
    %broadcast_in_dim3A_176 = vector.broadcast %broadcast_in_dim3A_175 : f32 to vector<16xf32>
    %scan3A = arith.constant 0 : i32
    %scan3A_177 = arith.constant 0 : i32
    %scan3A_178 = arith.constant 512 : i32
    %scan3A_179 = arith.addi %scan3A_177, %scan3A_178 : i32
    %scan3A_180 = arith.constant 1 : i32
    scf.for %scan3A_182 = %scan3A_177 to %scan3A_179 step %scan3A_180  : i32 {
      %mul3A_183 = arith.constant 128 : i32
      %mul3A_184 = arith.muli %scan3A_182, %mul3A_183 : i32
      %add3A_185 = arith.constant 0 : i32
      %add3A_186 = arith.addi %mul3A_184, %add3A_185 : i32
      %get3A = arith.index_cast %add3A_186 : i32 to index
      %get3A_187 = tpu.vector_load %arg4[%get3A] {strides = array<i32>} : memref<65536xi32, #tpu.memory_space<vmem>>, vector<16xi32>,
      tpu.vector_store_idx %arg5[%get3A_187, %iota3A], %broadcast_in_dim3A_176 {add = true} : memref<24x16xf32, #tpu.memory_space<vmem>>[vector<16xi32>, vector<16xi32>], vector<16xf32>,
      %add3A_188 = arith.constant 16 : i32
      %add3A_189 = arith.addi %mul3A_184, %add3A_188 : i32
      %get3A_190 = arith.index_cast %add3A_189 : i32 to index
      %get3A_191 = tpu.vector_load %arg4[%get3A_190] {strides = array<i32>} : memref<65536xi32, #tpu.memory_space<vmem>>, vector<16xi32>,
      tpu.vector_store_idx %arg5[%get3A_191, %iota3A], %broadcast_in_dim3A_176 {add = true} : memref<24x16xf32, #tpu.memory_space<vmem>>[vector<16xi32>, vector<16xi32>], vector<16xf32>,
      %add3A_192 = arith.constant 32 : i32
      %add3A_193 = arith.addi %mul3A_184, %add3A_192 : i32
      %get3A_194 = arith.index_cast %add3A_193 : i32 to index
      %get3A_195 = tpu.vector_load %arg4[%get3A_194] {strides = array<i32>} : memref<65536xi32, #tpu.memory_space<vmem>>, vector<16xi32>,
      tpu.vector_store_idx %arg5[%get3A_195, %iota3A], %broadcast_in_dim3A_176 {add = true} : memref<24x16xf32, #tpu.memory_space<vmem>>[vector<16xi32>, vector<16xi32>], vector<16xf32>,
      %add3A_196 = arith.constant 48 : i32
      %add3A_197 = arith.addi %mul3A_184, %add3A_196 : i32
      %get3A_198 = arith.index_cast %add3A_197 : i32 to index
      %get3A_199 = tpu.vector_load %arg4[%get3A_198] {strides = array<i32>} : memref<65536xi32, #tpu.memory_space<vmem>>, vector<16xi32>,
      tpu.vector_store_idx %arg5[%get3A_199, %iota3A], %broadcast_in_dim3A_176 {add = true} : memref<24x16xf32, #tpu.memory_space<vmem>>[vector<16xi32>, vector<16xi32>], vector<16xf32>,
      %add3A_200 = arith.constant 64 : i32
      %add3A_201 = arith.addi %mul3A_184, %add3A_200 : i32
      %get3A_202 = arith.index_cast %add3A_201 : i32 to index
      %get3A_203 = tpu.vector_load %arg4[%get3A_202] {strides = array<i32>} : memref<65536xi32, #tpu.memory_space<vmem>>, vector<16xi32>,
      tpu.vector_store_idx %arg5[%get3A_203, %iota3A], %broadcast_in_dim3A_176 {add = true} : memref<24x16xf32, #tpu.memory_space<vmem>>[vector<16xi32>, vector<16xi32>], vector<16xf32>,
      %add3A_204 = arith.constant 80 : i32
      %add3A_205 = arith.addi %mul3A_184, %add3A_204 : i32
      %get3A_206 = arith.index_cast %add3A_205 : i32 to index
      %get3A_207 = tpu.vector_load %arg4[%get3A_206] {strides = array<i32>} : memref<65536xi32, #tpu.memory_space<vmem>>, vector<16xi32>,
      tpu.vector_store_idx %arg5[%get3A_207, %iota3A], %broadcast_in_dim3A_176 {add = true} : memref<24x16xf32, #tpu.memory_space<vmem>>[vector<16xi32>, vector<16xi32>], vector<16xf32>,
      %add3A_208 = arith.constant 96 : i32
      %add3A_209 = arith.addi %mul3A_184, %add3A_208 : i32
      %get3A_210 = arith.index_cast %add3A_209 : i32 to index
      %get3A_211 = tpu.vector_load %arg4[%get3A_210] {strides = array<i32>} : memref<65536xi32, #tpu.memory_space<vmem>>, vector<16xi32>,
      tpu.vector_store_idx %arg5[%get3A_211, %iota3A], %broadcast_in_dim3A_176 {add = true} : memref<24x16xf32, #tpu.memory_space<vmem>>[vector<16xi32>, vector<16xi32>], vector<16xf32>,
      %add3A_212 = arith.constant 112 : i32
      %add3A_213 = arith.addi %mul3A_184, %add3A_212 : i32
      %get3A_214 = arith.index_cast %add3A_213 : i32 to index
      %get3A_215 = tpu.vector_load %arg4[%get3A_214] {strides = array<i32>} : memref<65536xi32, #tpu.memory_space<vmem>>, vector<16xi32>,
      tpu.vector_store_idx %arg5[%get3A_215, %iota3A], %broadcast_in_dim3A_176 {add = true} : memref<24x16xf32, #tpu.memory_space<vmem>>[vector<16xi32>, vector<16xi32>], vector<16xf32>,
    }
    %scan3A_181 = arith.constant 512 : i32
    "tpu.region"() ({
      %run_scoped3A = tpu.sem_alloc : memref<!tpu.dma_semaphore, #tpu.memory_space<semaphore_mem>>
      %dma_start3A = arith.constant 0 : i32
      %dma_start3A_182 = arith.constant 0 : i32
      %dma_start3A_183 = tpu.memref_slice %arg3[%select_n3A_30, %select_n3A, %dma_start3A, %dma_start3A_182] : memref<4x8x24x16xf32, #tpu.memory_space<hbm>> -> memref<1x1x24x16xf32, #tpu.memory_space<hbm>>
      %dma_start3A_184 = tpu.memref_squeeze %dma_start3A_183 : memref<1x1x24x16xf32, #tpu.memory_space<hbm>> -> memref<24x16xf32, #tpu.memory_space<hbm>>
      %dma_start3A_185 = arith.constant 0 : i32
      %dma_start3A_186 = arith.constant 0 : i32
      %dma_start3A_187 = tpu.memref_slice %arg3[%select_n3A_30, %select_n3A, %dma_start3A_185, %dma_start3A_186] : memref<4x8x24x16xf32, #tpu.memory_space<hbm>> -> memref<1x1x24x16xf32, #tpu.memory_space<hbm>>
      %dma_start3A_188 = tpu.memref_squeeze %dma_start3A_187 : memref<1x1x24x16xf32, #tpu.memory_space<hbm>> -> memref<24x16xf32, #tpu.memory_space<hbm>>
      tpu.enqueue_dma source(%arg5 : memref<24x16xf32, #tpu.memory_space<vmem>>) target(%dma_start3A_188 : memref<24x16xf32, #tpu.memory_space<hbm>>) target_semaphore(%run_scoped3A : memref<!tpu.dma_semaphore, #tpu.memory_space<semaphore_mem>>)
      %dma_wait3A = arith.constant 0 : i32
      %dma_wait3A_189 = arith.constant 0 : i32
      %dma_wait3A_190 = tpu.memref_slice %arg3[%select_n3A_30, %select_n3A, %dma_wait3A, %dma_wait3A_189] : memref<4x8x24x16xf32, #tpu.memory_space<hbm>> -> memref<1x1x24x16xf32, #tpu.memory_space<hbm>>
      %dma_wait3A_191 = tpu.memref_squeeze %dma_wait3A_190 : memref<1x1x24x16xf32, #tpu.memory_space<hbm>> -> memref<24x16xf32, #tpu.memory_space<hbm>>
      %dma_wait3A_192 = arith.constant 0 : i32
      %dma_wait3A_193 = arith.constant 0 : i32
      %dma_wait3A_194 = tpu.memref_slice %arg3[%select_n3A_30, %select_n3A, %dma_wait3A_192, %dma_wait3A_193] : memref<4x8x24x16xf32, #tpu.memory_space<hbm>> -> memref<1x1x24x16xf32, #tpu.memory_space<hbm>>
      %dma_wait3A_195 = tpu.memref_squeeze %dma_wait3A_194 : memref<1x1x24x16xf32, #tpu.memory_space<hbm>> -> memref<24x16xf32, #tpu.memory_space<hbm>>
      tpu.wait_dma2 semaphore(%run_scoped3A : memref<!tpu.dma_semaphore, #tpu.memory_space<semaphore_mem>>) src(%arg5 : memref<24x16xf32, #tpu.memory_space<vmem>>) dst(%dma_wait3A_195 : memref<24x16xf32, #tpu.memory_space<hbm>>)
      tpu.yield
    }) : () -> ()
    return
  }
}

module attributes {stable_mosaic.version = 14 : i64} {
  func.func @_combine_body(%arg0: memref<8x24x128xf32, #tpu.memory_space<vmem>>, %arg1: memref<4x8x24x16xf32, #tpu.memory_space<vmem>>, %arg2: memref<1x1xf32, #tpu.memory_space<smem>>) attributes {dimension_semantics = [], scalar_prefetch = 0 : i64, scratch_operands = 0 : i64, tpu.core_type = #tpu.core_type<tc>} {
    %get3A = arith.constant 0 : index
    %get3A_0 = arith.constant 0 : index
    %get3A_1 = arith.constant 0 : index
    %get3A_2 = vector.load %arg0[%get3A, %get3A_0, %get3A_1] : memref<8x24x128xf32, #tpu.memory_space<vmem>>, vector<8x24x128xf32>
    %reduce_sum3A = arith.constant dense<0.000000e+00> : vector<8x24xf32>
    %reduce_sum3A_3 = vector.multi_reduction <add>, %get3A_2, %reduce_sum3A [2] : vector<8x24x128xf32> to vector<8x24xf32>
    %get3A_4 = arith.constant 0 : index
    %get3A_5 = arith.constant 0 : index
    %get3A_6 = arith.constant 0 : index
    %get3A_7 = arith.constant 0 : index
    %get3A_8 = vector.load %arg1[%get3A_4, %get3A_5, %get3A_6, %get3A_7] : memref<4x8x24x16xf32, #tpu.memory_space<vmem>>, vector<1x8x24x16xf32>
    %get3A_9 = vector.shape_cast %get3A_8 : vector<1x8x24x16xf32> to vector<8x24x16xf32>
    %reduce_sum3A_10 = arith.constant dense<0.000000e+00> : vector<8x24xf32>
    %reduce_sum3A_11 = vector.multi_reduction <add>, %get3A_9, %reduce_sum3A_10 [2] : vector<8x24x16xf32> to vector<8x24xf32>
    %get3A_12 = arith.constant 1 : index
    %get3A_13 = arith.constant 0 : index
    %get3A_14 = arith.constant 0 : index
    %get3A_15 = arith.constant 0 : index
    %get3A_16 = vector.load %arg1[%get3A_12, %get3A_13, %get3A_14, %get3A_15] : memref<4x8x24x16xf32, #tpu.memory_space<vmem>>, vector<1x8x24x16xf32>
    %get3A_17 = vector.shape_cast %get3A_16 : vector<1x8x24x16xf32> to vector<8x24x16xf32>
    %reduce_sum3A_18 = arith.constant dense<0.000000e+00> : vector<8x24xf32>
    %reduce_sum3A_19 = vector.multi_reduction <add>, %get3A_17, %reduce_sum3A_18 [2] : vector<8x24x16xf32> to vector<8x24xf32>
    %add3A = arith.addf %reduce_sum3A_11, %reduce_sum3A_19 : vector<8x24xf32>
    %get3A_20 = arith.constant 2 : index
    %get3A_21 = arith.constant 0 : index
    %get3A_22 = arith.constant 0 : index
    %get3A_23 = arith.constant 0 : index
    %get3A_24 = vector.load %arg1[%get3A_20, %get3A_21, %get3A_22, %get3A_23] : memref<4x8x24x16xf32, #tpu.memory_space<vmem>>, vector<1x8x24x16xf32>
    %get3A_25 = vector.shape_cast %get3A_24 : vector<1x8x24x16xf32> to vector<8x24x16xf32>
    %reduce_sum3A_26 = arith.constant dense<0.000000e+00> : vector<8x24xf32>
    %reduce_sum3A_27 = vector.multi_reduction <add>, %get3A_25, %reduce_sum3A_26 [2] : vector<8x24x16xf32> to vector<8x24xf32>
    %add3A_28 = arith.addf %add3A, %reduce_sum3A_27 : vector<8x24xf32>
    %get3A_29 = arith.constant 3 : index
    %get3A_30 = arith.constant 0 : index
    %get3A_31 = arith.constant 0 : index
    %get3A_32 = arith.constant 0 : index
    %get3A_33 = vector.load %arg1[%get3A_29, %get3A_30, %get3A_31, %get3A_32] : memref<4x8x24x16xf32, #tpu.memory_space<vmem>>, vector<1x8x24x16xf32>
    %get3A_34 = vector.shape_cast %get3A_33 : vector<1x8x24x16xf32> to vector<8x24x16xf32>
    %reduce_sum3A_35 = arith.constant dense<0.000000e+00> : vector<8x24xf32>
    %reduce_sum3A_36 = vector.multi_reduction <add>, %get3A_34, %reduce_sum3A_35 [2] : vector<8x24x16xf32> to vector<8x24xf32>
    %add3A_37 = arith.addf %add3A_28, %reduce_sum3A_36 : vector<8x24xf32>
    %iota3A = tpu.iota {dimensions = array<i32: 1>} : vector<8x24xi32>
    %lt3A = arith.constant 19 : i32
    %lt3A_38 = vector.broadcast %lt3A : i32 to vector<8x24xi32>
    %lt3A_39 = arith.cmpi slt, %iota3A, %lt3A_38 : vector<8x24xi32>
    %eq3A = arith.constant 0.000000e+00 : f32
    %eq3A_40 = vector.broadcast %eq3A : f32 to vector<8x24xf32>
    %eq3A_41 = arith.cmpf oeq, %add3A_37, %eq3A_40 : vector<8x24xf32>
    %jit3A = arith.constant 1.000000e+00 : f32
    %broadcast_in_dim3A = vector.broadcast %jit3A : f32 to vector<8x24xf32>
    %select_n3A = arith.select %eq3A_41, %broadcast_in_dim3A, %add3A_37 : vector<8x24xi1>, vector<8x24xf32>
    %jit3A_42 = arith.constant 0.000000e+00 : f32
    %broadcast_in_dim3A_43 = vector.broadcast %jit3A_42 : f32 to vector<8x24xf32>
    %select_n3A_44 = arith.select %lt3A_39, %select_n3A, %broadcast_in_dim3A_43 : vector<8x24xi1>, vector<8x24xf32>
    %reduce_sum3A_45 = arith.constant dense<0.000000e+00> : vector<8xf32>
    %reduce_sum3A_46 = vector.multi_reduction <add>, %select_n3A_44, %reduce_sum3A_45 [1] : vector<8x24xf32> to vector<8xf32>
    %broadcast_in_dim3A_47 = vector.shape_cast %reduce_sum3A_46 : vector<8xf32> to vector<8x1xf32>
    %log3A = math.log %broadcast_in_dim3A_47 : vector<8x1xf32>
    %log3A_48 = math.log %select_n3A : vector<8x24xf32>
    %sub3A = vector.broadcast %log3A : vector<8x1xf32> to vector<8x24xf32>
    %sub3A_49 = arith.subf %sub3A, %log3A_48 : vector<8x24xf32>
    %mul3A = arith.constant 2.000000e-01 : f32
    %mul3A_50 = vector.broadcast %mul3A : f32 to vector<8x24xf32>
    %mul3A_51 = arith.mulf %mul3A_50, %sub3A_49 : vector<8x24xf32>
    %exp3A = math.exp %mul3A_51 : vector<8x24xf32>
    %mul3A_52 = arith.mulf %exp3A, %reduce_sum3A_3 : vector<8x24xf32>
    %jit3A_53 = arith.constant 0.000000e+00 : f32
    %broadcast_in_dim3A_54 = vector.broadcast %jit3A_53 : f32 to vector<8x24xf32>
    %select_n3A_55 = arith.select %lt3A_39, %mul3A_52, %broadcast_in_dim3A_54 : vector<8x24xi1>, vector<8x24xf32>
    %reduce_sum3A_56 = vector.shape_cast %select_n3A_55 : vector<8x24xf32> to vector<1x8x24xf32>
    %reduce_sum3A_57 = arith.constant dense<0.000000e+00> : vector<1xf32>
    %reduce_sum3A_58 = vector.multi_reduction <add>, %reduce_sum3A_56, %reduce_sum3A_57 [1, 2] : vector<1x8x24xf32> to vector<1xf32>
    %reduce_sum3A_59 = vector.shape_cast %reduce_sum3A_58 : vector<1xf32> to vector<1x1x1xf32>
    %reduce_sum3A_60 = vector.extract %reduce_sum3A_59[0, 0, 0] : f32 from vector<1x1x1xf32>
    %neg3A = arith.constant 0.000000e+00 : f32
    %neg3A_61 = arith.subf %neg3A, %reduce_sum3A_60 : f32
    %mul3A_62 = arith.constant 2.50966927E-8 : f32
    %mul3A_63 = arith.mulf %neg3A_61, %mul3A_62 : f32
    %swap3A = arith.constant 0 : index
    %swap3A_64 = arith.constant 0 : index
    %swap3A_65 = memref.load %arg2[%swap3A, %swap3A_64] : memref<1x1xf32, #tpu.memory_space<smem>>
    memref.store %mul3A_63, %arg2[%swap3A, %swap3A_64] : memref<1x1xf32, #tpu.memory_space<smem>>
    return
  }
}

module attributes {stable_mosaic.version = 14 : i64} {
  func.func @_main_body(%arg0: i32, %arg1: i32, %arg2: memref<1x19x1024x128xf32, #tpu.memory_space<vmem>>, %arg3: memref<1x24x128xf32, #tpu.memory_space<vmem>>, %arg4: memref<1x1024x128xi32, #tpu.memory_space<vmem>>, %arg5: memref<19x1024x128xf32, #tpu.memory_space<vmem>>) attributes {dimension_semantics = [#tpu.dimension_semantics<parallel>, #tpu.dimension_semantics<arbitrary>], iteration_bounds = array<i64: 8, 2>, scalar_prefetch = 0 : i64, scratch_operands = 1 : i64, tpu.core_type = #tpu.core_type<tc>, window_params = [{transform_indices = @transform_0, window_bounds = array<i64: 1, 19, 1024, 128>}, {transform_indices = @transform_1, window_bounds = array<i64: 1, 24, 128>}, {transform_indices = @transform_2, window_bounds = array<i64: 1, 1024, 128>}]} {
    %eq3A = arith.constant 0 : i32
    %eq3A_0 = arith.cmpi eq, %arg1, %eq3A : i32
    %convert_element_type3A = arith.extui %eq3A_0 : i1 to i32
    %cond3A = arith.constant 0 : i32
    %cond3A_1 = arith.cmpi ne, %convert_element_type3A, %cond3A : i32
    scf.if %cond3A_1 {
      %broadcast_in_dim3A_589 = arith.constant 0.000000e+00 : f32
      %broadcast_in_dim3A_590 = vector.broadcast %broadcast_in_dim3A_589 : f32 to vector<1x24x128xf32>
      %swap3A_591 = arith.constant 0 : index
      %swap3A_592 = arith.constant 0 : index
      %swap3A_593 = arith.constant 0 : index
      %swap3A_594 = vector.load %arg3[%swap3A_591, %swap3A_592, %swap3A_593] : memref<1x24x128xf32, #tpu.memory_space<vmem>>, vector<1x24x128xf32>
      tpu.vector_store %arg3[%swap3A_591, %swap3A_592, %swap3A_593], %broadcast_in_dim3A_590 {strides = array<i32>} : memref<1x24x128xf32, #tpu.memory_space<vmem>>, vector<1x24x128xf32>,
    } else {
    }
    %get3A = arith.constant 0 : index
    %get3A_2 = arith.constant 0 : index
    %get3A_3 = arith.constant 0 : index
    %get3A_4 = arith.constant 0 : index
    %get3A_5 = vector.load %arg2[%get3A, %get3A_2, %get3A_3, %get3A_4] : memref<1x19x1024x128xf32, #tpu.memory_space<vmem>>, vector<1x19x1024x128xf32>
    %get3A_6 = vector.shape_cast %get3A_5 : vector<1x19x1024x128xf32> to vector<19x1024x128xf32>
    %slice3A = vector.extract_strided_slice %get3A_6 {offsets = [0, 0, 0], sizes = [1, 1024, 128], strides = [1, 1, 1]} : vector<19x1024x128xf32> to vector<1x1024x128xf32>
    %squeeze3A = vector.shape_cast %slice3A : vector<1x1024x128xf32> to vector<1024x128xf32>
    %slice3A_7 = vector.extract_strided_slice %get3A_6 {offsets = [1, 0, 0], sizes = [1, 1024, 128], strides = [1, 1, 1]} : vector<19x1024x128xf32> to vector<1x1024x128xf32>
    %squeeze3A_8 = vector.shape_cast %slice3A_7 : vector<1x1024x128xf32> to vector<1024x128xf32>
    %max3A = arith.maximumf %squeeze3A, %squeeze3A_8 : vector<1024x128xf32>
    %slice3A_9 = vector.extract_strided_slice %get3A_6 {offsets = [2, 0, 0], sizes = [1, 1024, 128], strides = [1, 1, 1]} : vector<19x1024x128xf32> to vector<1x1024x128xf32>
    %squeeze3A_10 = vector.shape_cast %slice3A_9 : vector<1x1024x128xf32> to vector<1024x128xf32>
    %max3A_11 = arith.maximumf %max3A, %squeeze3A_10 : vector<1024x128xf32>
    %slice3A_12 = vector.extract_strided_slice %get3A_6 {offsets = [3, 0, 0], sizes = [1, 1024, 128], strides = [1, 1, 1]} : vector<19x1024x128xf32> to vector<1x1024x128xf32>
    %squeeze3A_13 = vector.shape_cast %slice3A_12 : vector<1x1024x128xf32> to vector<1024x128xf32>
    %max3A_14 = arith.maximumf %max3A_11, %squeeze3A_13 : vector<1024x128xf32>
    %slice3A_15 = vector.extract_strided_slice %get3A_6 {offsets = [4, 0, 0], sizes = [1, 1024, 128], strides = [1, 1, 1]} : vector<19x1024x128xf32> to vector<1x1024x128xf32>
    %squeeze3A_16 = vector.shape_cast %slice3A_15 : vector<1x1024x128xf32> to vector<1024x128xf32>
    %max3A_17 = arith.maximumf %max3A_14, %squeeze3A_16 : vector<1024x128xf32>
    %slice3A_18 = vector.extract_strided_slice %get3A_6 {offsets = [5, 0, 0], sizes = [1, 1024, 128], strides = [1, 1, 1]} : vector<19x1024x128xf32> to vector<1x1024x128xf32>
    %squeeze3A_19 = vector.shape_cast %slice3A_18 : vector<1x1024x128xf32> to vector<1024x128xf32>
    %max3A_20 = arith.maximumf %max3A_17, %squeeze3A_19 : vector<1024x128xf32>
    %slice3A_21 = vector.extract_strided_slice %get3A_6 {offsets = [6, 0, 0], sizes = [1, 1024, 128], strides = [1, 1, 1]} : vector<19x1024x128xf32> to vector<1x1024x128xf32>
    %squeeze3A_22 = vector.shape_cast %slice3A_21 : vector<1x1024x128xf32> to vector<1024x128xf32>
    %max3A_23 = arith.maximumf %max3A_20, %squeeze3A_22 : vector<1024x128xf32>
    %slice3A_24 = vector.extract_strided_slice %get3A_6 {offsets = [7, 0, 0], sizes = [1, 1024, 128], strides = [1, 1, 1]} : vector<19x1024x128xf32> to vector<1x1024x128xf32>
    %squeeze3A_25 = vector.shape_cast %slice3A_24 : vector<1x1024x128xf32> to vector<1024x128xf32>
    %max3A_26 = arith.maximumf %max3A_23, %squeeze3A_25 : vector<1024x128xf32>
    %slice3A_27 = vector.extract_strided_slice %get3A_6 {offsets = [8, 0, 0], sizes = [1, 1024, 128], strides = [1, 1, 1]} : vector<19x1024x128xf32> to vector<1x1024x128xf32>
    %squeeze3A_28 = vector.shape_cast %slice3A_27 : vector<1x1024x128xf32> to vector<1024x128xf32>
    %max3A_29 = arith.maximumf %max3A_26, %squeeze3A_28 : vector<1024x128xf32>
    %slice3A_30 = vector.extract_strided_slice %get3A_6 {offsets = [9, 0, 0], sizes = [1, 1024, 128], strides = [1, 1, 1]} : vector<19x1024x128xf32> to vector<1x1024x128xf32>
    %squeeze3A_31 = vector.shape_cast %slice3A_30 : vector<1x1024x128xf32> to vector<1024x128xf32>
    %max3A_32 = arith.maximumf %max3A_29, %squeeze3A_31 : vector<1024x128xf32>
    %slice3A_33 = vector.extract_strided_slice %get3A_6 {offsets = [10, 0, 0], sizes = [1, 1024, 128], strides = [1, 1, 1]} : vector<19x1024x128xf32> to vector<1x1024x128xf32>
    %squeeze3A_34 = vector.shape_cast %slice3A_33 : vector<1x1024x128xf32> to vector<1024x128xf32>
    %max3A_35 = arith.maximumf %max3A_32, %squeeze3A_34 : vector<1024x128xf32>
    %slice3A_36 = vector.extract_strided_slice %get3A_6 {offsets = [11, 0, 0], sizes = [1, 1024, 128], strides = [1, 1, 1]} : vector<19x1024x128xf32> to vector<1x1024x128xf32>
    %squeeze3A_37 = vector.shape_cast %slice3A_36 : vector<1x1024x128xf32> to vector<1024x128xf32>
    %max3A_38 = arith.maximumf %max3A_35, %squeeze3A_37 : vector<1024x128xf32>
    %slice3A_39 = vector.extract_strided_slice %get3A_6 {offsets = [12, 0, 0], sizes = [1, 1024, 128], strides = [1, 1, 1]} : vector<19x1024x128xf32> to vector<1x1024x128xf32>
    %squeeze3A_40 = vector.shape_cast %slice3A_39 : vector<1x1024x128xf32> to vector<1024x128xf32>
    %max3A_41 = arith.maximumf %max3A_38, %squeeze3A_40 : vector<1024x128xf32>
    %slice3A_42 = vector.extract_strided_slice %get3A_6 {offsets = [13, 0, 0], sizes = [1, 1024, 128], strides = [1, 1, 1]} : vector<19x1024x128xf32> to vector<1x1024x128xf32>
    %squeeze3A_43 = vector.shape_cast %slice3A_42 : vector<1x1024x128xf32> to vector<1024x128xf32>
    %max3A_44 = arith.maximumf %max3A_41, %squeeze3A_43 : vector<1024x128xf32>
    %slice3A_45 = vector.extract_strided_slice %get3A_6 {offsets = [14, 0, 0], sizes = [1, 1024, 128], strides = [1, 1, 1]} : vector<19x1024x128xf32> to vector<1x1024x128xf32>
    %squeeze3A_46 = vector.shape_cast %slice3A_45 : vector<1x1024x128xf32> to vector<1024x128xf32>
    %max3A_47 = arith.maximumf %max3A_44, %squeeze3A_46 : vector<1024x128xf32>
    %slice3A_48 = vector.extract_strided_slice %get3A_6 {offsets = [15, 0, 0], sizes = [1, 1024, 128], strides = [1, 1, 1]} : vector<19x1024x128xf32> to vector<1x1024x128xf32>
    %squeeze3A_49 = vector.shape_cast %slice3A_48 : vector<1x1024x128xf32> to vector<1024x128xf32>
    %max3A_50 = arith.maximumf %max3A_47, %squeeze3A_49 : vector<1024x128xf32>
    %slice3A_51 = vector.extract_strided_slice %get3A_6 {offsets = [16, 0, 0], sizes = [1, 1024, 128], strides = [1, 1, 1]} : vector<19x1024x128xf32> to vector<1x1024x128xf32>
    %squeeze3A_52 = vector.shape_cast %slice3A_51 : vector<1x1024x128xf32> to vector<1024x128xf32>
    %max3A_53 = arith.maximumf %max3A_50, %squeeze3A_52 : vector<1024x128xf32>
    %slice3A_54 = vector.extract_strided_slice %get3A_6 {offsets = [17, 0, 0], sizes = [1, 1024, 128], strides = [1, 1, 1]} : vector<19x1024x128xf32> to vector<1x1024x128xf32>
    %squeeze3A_55 = vector.shape_cast %slice3A_54 : vector<1x1024x128xf32> to vector<1024x128xf32>
    %max3A_56 = arith.maximumf %max3A_53, %squeeze3A_55 : vector<1024x128xf32>
    %slice3A_57 = vector.extract_strided_slice %get3A_6 {offsets = [18, 0, 0], sizes = [1, 1024, 128], strides = [1, 1, 1]} : vector<19x1024x128xf32> to vector<1x1024x128xf32>
    %squeeze3A_58 = vector.shape_cast %slice3A_57 : vector<1x1024x128xf32> to vector<1024x128xf32>
    %max3A_59 = arith.maximumf %max3A_56, %squeeze3A_58 : vector<1024x128xf32>
    %broadcast_in_dim3A = arith.constant 0.000000e+00 : f32
    %broadcast_in_dim3A_60 = vector.broadcast %broadcast_in_dim3A : f32 to vector<1024x128xf32>
    %broadcast_in_dim3A_61 = arith.constant 0 : i32
    %broadcast_in_dim3A_62 = vector.broadcast %broadcast_in_dim3A_61 : i32 to vector<1024x128xi32>
    %slice3A_63 = vector.extract_strided_slice %get3A_6 {offsets = [0, 0, 0], sizes = [1, 1024, 128], strides = [1, 1, 1]} : vector<19x1024x128xf32> to vector<1x1024x128xf32>
    %squeeze3A_64 = vector.shape_cast %slice3A_63 : vector<1x1024x128xf32> to vector<1024x128xf32>
    %sub3A = arith.subf %squeeze3A_64, %max3A_59 : vector<1024x128xf32>
    %exp3A = math.exp %sub3A : vector<1024x128xf32>
    %swap3A = arith.constant 0 : index
    %swap3A_65 = arith.constant 0 : index
    %swap3A_66 = arith.constant 0 : index
    %swap3A_67 = vector.load %arg5[%swap3A, %swap3A_65, %swap3A_66] : memref<19x1024x128xf32, #tpu.memory_space<vmem>>, vector<1x1024x128xf32>
    %swap3A_68 = vector.shape_cast %swap3A_67 : vector<1x1024x128xf32> to vector<1024x128xf32>
    %swap3A_69 = vector.shape_cast %exp3A : vector<1024x128xf32> to vector<1x1024x128xf32>
    tpu.vector_store %arg5[%swap3A, %swap3A_65, %swap3A_66], %swap3A_69 {strides = array<i32>} : memref<19x1024x128xf32, #tpu.memory_space<vmem>>, vector<1x1024x128xf32>,
    %add3A = arith.addf %broadcast_in_dim3A_60, %exp3A : vector<1024x128xf32>
    %eq3A_70 = arith.constant 1.000000e+00 : f32
    %eq3A_71 = vector.broadcast %eq3A_70 : f32 to vector<1024x128xf32>
    %eq3A_72 = arith.cmpf oeq, %exp3A, %eq3A_71 : vector<1024x128xf32>
    %jit3A = arith.constant 0 : i32
    %broadcast_in_dim3A_73 = vector.broadcast %jit3A : i32 to vector<1024x128xi32>
    %select_n3A = arith.select %eq3A_72, %broadcast_in_dim3A_73, %broadcast_in_dim3A_62 : vector<1024x128xi1>, vector<1024x128xi32>
    %slice3A_74 = vector.extract_strided_slice %get3A_6 {offsets = [1, 0, 0], sizes = [1, 1024, 128], strides = [1, 1, 1]} : vector<19x1024x128xf32> to vector<1x1024x128xf32>
    %squeeze3A_75 = vector.shape_cast %slice3A_74 : vector<1x1024x128xf32> to vector<1024x128xf32>
    %sub3A_76 = arith.subf %squeeze3A_75, %max3A_59 : vector<1024x128xf32>
    %exp3A_77 = math.exp %sub3A_76 : vector<1024x128xf32>
    %swap3A_78 = arith.constant 1 : index
    %swap3A_79 = arith.constant 0 : index
    %swap3A_80 = arith.constant 0 : index
    %swap3A_81 = vector.load %arg5[%swap3A_78, %swap3A_79, %swap3A_80] : memref<19x1024x128xf32, #tpu.memory_space<vmem>>, vector<1x1024x128xf32>
    %swap3A_82 = vector.shape_cast %swap3A_81 : vector<1x1024x128xf32> to vector<1024x128xf32>
    %swap3A_83 = vector.shape_cast %exp3A_77 : vector<1024x128xf32> to vector<1x1024x128xf32>
    tpu.vector_store %arg5[%swap3A_78, %swap3A_79, %swap3A_80], %swap3A_83 {strides = array<i32>} : memref<19x1024x128xf32, #tpu.memory_space<vmem>>, vector<1x1024x128xf32>,
    %add3A_84 = arith.addf %add3A, %exp3A_77 : vector<1024x128xf32>
    %eq3A_85 = arith.constant 1.000000e+00 : f32
    %eq3A_86 = vector.broadcast %eq3A_85 : f32 to vector<1024x128xf32>
    %eq3A_87 = arith.cmpf oeq, %exp3A_77, %eq3A_86 : vector<1024x128xf32>
    %jit3A_88 = arith.constant 1 : i32
    %broadcast_in_dim3A_89 = vector.broadcast %jit3A_88 : i32 to vector<1024x128xi32>
    %select_n3A_90 = arith.select %eq3A_87, %broadcast_in_dim3A_89, %select_n3A : vector<1024x128xi1>, vector<1024x128xi32>
    %slice3A_91 = vector.extract_strided_slice %get3A_6 {offsets = [2, 0, 0], sizes = [1, 1024, 128], strides = [1, 1, 1]} : vector<19x1024x128xf32> to vector<1x1024x128xf32>
    %squeeze3A_92 = vector.shape_cast %slice3A_91 : vector<1x1024x128xf32> to vector<1024x128xf32>
    %sub3A_93 = arith.subf %squeeze3A_92, %max3A_59 : vector<1024x128xf32>
    %exp3A_94 = math.exp %sub3A_93 : vector<1024x128xf32>
    %swap3A_95 = arith.constant 2 : index
    %swap3A_96 = arith.constant 0 : index
    %swap3A_97 = arith.constant 0 : index
    %swap3A_98 = vector.load %arg5[%swap3A_95, %swap3A_96, %swap3A_97] : memref<19x1024x128xf32, #tpu.memory_space<vmem>>, vector<1x1024x128xf32>
    %swap3A_99 = vector.shape_cast %swap3A_98 : vector<1x1024x128xf32> to vector<1024x128xf32>
    %swap3A_100 = vector.shape_cast %exp3A_94 : vector<1024x128xf32> to vector<1x1024x128xf32>
    tpu.vector_store %arg5[%swap3A_95, %swap3A_96, %swap3A_97], %swap3A_100 {strides = array<i32>} : memref<19x1024x128xf32, #tpu.memory_space<vmem>>, vector<1x1024x128xf32>,
    %add3A_101 = arith.addf %add3A_84, %exp3A_94 : vector<1024x128xf32>
    %eq3A_102 = arith.constant 1.000000e+00 : f32
    %eq3A_103 = vector.broadcast %eq3A_102 : f32 to vector<1024x128xf32>
    %eq3A_104 = arith.cmpf oeq, %exp3A_94, %eq3A_103 : vector<1024x128xf32>
    %jit3A_105 = arith.constant 2 : i32
    %broadcast_in_dim3A_106 = vector.broadcast %jit3A_105 : i32 to vector<1024x128xi32>
    %select_n3A_107 = arith.select %eq3A_104, %broadcast_in_dim3A_106, %select_n3A_90 : vector<1024x128xi1>, vector<1024x128xi32>
    %slice3A_108 = vector.extract_strided_slice %get3A_6 {offsets = [3, 0, 0], sizes = [1, 1024, 128], strides = [1, 1, 1]} : vector<19x1024x128xf32> to vector<1x1024x128xf32>
    %squeeze3A_109 = vector.shape_cast %slice3A_108 : vector<1x1024x128xf32> to vector<1024x128xf32>
    %sub3A_110 = arith.subf %squeeze3A_109, %max3A_59 : vector<1024x128xf32>
    %exp3A_111 = math.exp %sub3A_110 : vector<1024x128xf32>
    %swap3A_112 = arith.constant 3 : index
    %swap3A_113 = arith.constant 0 : index
    %swap3A_114 = arith.constant 0 : index
    %swap3A_115 = vector.load %arg5[%swap3A_112, %swap3A_113, %swap3A_114] : memref<19x1024x128xf32, #tpu.memory_space<vmem>>, vector<1x1024x128xf32>
    %swap3A_116 = vector.shape_cast %swap3A_115 : vector<1x1024x128xf32> to vector<1024x128xf32>
    %swap3A_117 = vector.shape_cast %exp3A_111 : vector<1024x128xf32> to vector<1x1024x128xf32>
    tpu.vector_store %arg5[%swap3A_112, %swap3A_113, %swap3A_114], %swap3A_117 {strides = array<i32>} : memref<19x1024x128xf32, #tpu.memory_space<vmem>>, vector<1x1024x128xf32>,
    %add3A_118 = arith.addf %add3A_101, %exp3A_111 : vector<1024x128xf32>
    %eq3A_119 = arith.constant 1.000000e+00 : f32
    %eq3A_120 = vector.broadcast %eq3A_119 : f32 to vector<1024x128xf32>
    %eq3A_121 = arith.cmpf oeq, %exp3A_111, %eq3A_120 : vector<1024x128xf32>
    %jit3A_122 = arith.constant 3 : i32
    %broadcast_in_dim3A_123 = vector.broadcast %jit3A_122 : i32 to vector<1024x128xi32>
    %select_n3A_124 = arith.select %eq3A_121, %broadcast_in_dim3A_123, %select_n3A_107 : vector<1024x128xi1>, vector<1024x128xi32>
    %slice3A_125 = vector.extract_strided_slice %get3A_6 {offsets = [4, 0, 0], sizes = [1, 1024, 128], strides = [1, 1, 1]} : vector<19x1024x128xf32> to vector<1x1024x128xf32>
    %squeeze3A_126 = vector.shape_cast %slice3A_125 : vector<1x1024x128xf32> to vector<1024x128xf32>
    %sub3A_127 = arith.subf %squeeze3A_126, %max3A_59 : vector<1024x128xf32>
    %exp3A_128 = math.exp %sub3A_127 : vector<1024x128xf32>
    %swap3A_129 = arith.constant 4 : index
    %swap3A_130 = arith.constant 0 : index
    %swap3A_131 = arith.constant 0 : index
    %swap3A_132 = vector.load %arg5[%swap3A_129, %swap3A_130, %swap3A_131] : memref<19x1024x128xf32, #tpu.memory_space<vmem>>, vector<1x1024x128xf32>
    %swap3A_133 = vector.shape_cast %swap3A_132 : vector<1x1024x128xf32> to vector<1024x128xf32>
    %swap3A_134 = vector.shape_cast %exp3A_128 : vector<1024x128xf32> to vector<1x1024x128xf32>
    tpu.vector_store %arg5[%swap3A_129, %swap3A_130, %swap3A_131], %swap3A_134 {strides = array<i32>} : memref<19x1024x128xf32, #tpu.memory_space<vmem>>, vector<1x1024x128xf32>,
    %add3A_135 = arith.addf %add3A_118, %exp3A_128 : vector<1024x128xf32>
    %eq3A_136 = arith.constant 1.000000e+00 : f32
    %eq3A_137 = vector.broadcast %eq3A_136 : f32 to vector<1024x128xf32>
    %eq3A_138 = arith.cmpf oeq, %exp3A_128, %eq3A_137 : vector<1024x128xf32>
    %jit3A_139 = arith.constant 4 : i32
    %broadcast_in_dim3A_140 = vector.broadcast %jit3A_139 : i32 to vector<1024x128xi32>
    %select_n3A_141 = arith.select %eq3A_138, %broadcast_in_dim3A_140, %select_n3A_124 : vector<1024x128xi1>, vector<1024x128xi32>
    %slice3A_142 = vector.extract_strided_slice %get3A_6 {offsets = [5, 0, 0], sizes = [1, 1024, 128], strides = [1, 1, 1]} : vector<19x1024x128xf32> to vector<1x1024x128xf32>
    %squeeze3A_143 = vector.shape_cast %slice3A_142 : vector<1x1024x128xf32> to vector<1024x128xf32>
    %sub3A_144 = arith.subf %squeeze3A_143, %max3A_59 : vector<1024x128xf32>
    %exp3A_145 = math.exp %sub3A_144 : vector<1024x128xf32>
    %swap3A_146 = arith.constant 5 : index
    %swap3A_147 = arith.constant 0 : index
    %swap3A_148 = arith.constant 0 : index
    %swap3A_149 = vector.load %arg5[%swap3A_146, %swap3A_147, %swap3A_148] : memref<19x1024x128xf32, #tpu.memory_space<vmem>>, vector<1x1024x128xf32>
    %swap3A_150 = vector.shape_cast %swap3A_149 : vector<1x1024x128xf32> to vector<1024x128xf32>
    %swap3A_151 = vector.shape_cast %exp3A_145 : vector<1024x128xf32> to vector<1x1024x128xf32>
    tpu.vector_store %arg5[%swap3A_146, %swap3A_147, %swap3A_148], %swap3A_151 {strides = array<i32>} : memref<19x1024x128xf32, #tpu.memory_space<vmem>>, vector<1x1024x128xf32>,
    %add3A_152 = arith.addf %add3A_135, %exp3A_145 : vector<1024x128xf32>
    %eq3A_153 = arith.constant 1.000000e+00 : f32
    %eq3A_154 = vector.broadcast %eq3A_153 : f32 to vector<1024x128xf32>
    %eq3A_155 = arith.cmpf oeq, %exp3A_145, %eq3A_154 : vector<1024x128xf32>
    %jit3A_156 = arith.constant 5 : i32
    %broadcast_in_dim3A_157 = vector.broadcast %jit3A_156 : i32 to vector<1024x128xi32>
    %select_n3A_158 = arith.select %eq3A_155, %broadcast_in_dim3A_157, %select_n3A_141 : vector<1024x128xi1>, vector<1024x128xi32>
    %slice3A_159 = vector.extract_strided_slice %get3A_6 {offsets = [6, 0, 0], sizes = [1, 1024, 128], strides = [1, 1, 1]} : vector<19x1024x128xf32> to vector<1x1024x128xf32>
    %squeeze3A_160 = vector.shape_cast %slice3A_159 : vector<1x1024x128xf32> to vector<1024x128xf32>
    %sub3A_161 = arith.subf %squeeze3A_160, %max3A_59 : vector<1024x128xf32>
    %exp3A_162 = math.exp %sub3A_161 : vector<1024x128xf32>
    %swap3A_163 = arith.constant 6 : index
    %swap3A_164 = arith.constant 0 : index
    %swap3A_165 = arith.constant 0 : index
    %swap3A_166 = vector.load %arg5[%swap3A_163, %swap3A_164, %swap3A_165] : memref<19x1024x128xf32, #tpu.memory_space<vmem>>, vector<1x1024x128xf32>
    %swap3A_167 = vector.shape_cast %swap3A_166 : vector<1x1024x128xf32> to vector<1024x128xf32>
    %swap3A_168 = vector.shape_cast %exp3A_162 : vector<1024x128xf32> to vector<1x1024x128xf32>
    tpu.vector_store %arg5[%swap3A_163, %swap3A_164, %swap3A_165], %swap3A_168 {strides = array<i32>} : memref<19x1024x128xf32, #tpu.memory_space<vmem>>, vector<1x1024x128xf32>,
    %add3A_169 = arith.addf %add3A_152, %exp3A_162 : vector<1024x128xf32>
    %eq3A_170 = arith.constant 1.000000e+00 : f32
    %eq3A_171 = vector.broadcast %eq3A_170 : f32 to vector<1024x128xf32>
    %eq3A_172 = arith.cmpf oeq, %exp3A_162, %eq3A_171 : vector<1024x128xf32>
    %jit3A_173 = arith.constant 6 : i32
    %broadcast_in_dim3A_174 = vector.broadcast %jit3A_173 : i32 to vector<1024x128xi32>
    %select_n3A_175 = arith.select %eq3A_172, %broadcast_in_dim3A_174, %select_n3A_158 : vector<1024x128xi1>, vector<1024x128xi32>
    %slice3A_176 = vector.extract_strided_slice %get3A_6 {offsets = [7, 0, 0], sizes = [1, 1024, 128], strides = [1, 1, 1]} : vector<19x1024x128xf32> to vector<1x1024x128xf32>
    %squeeze3A_177 = vector.shape_cast %slice3A_176 : vector<1x1024x128xf32> to vector<1024x128xf32>
    %sub3A_178 = arith.subf %squeeze3A_177, %max3A_59 : vector<1024x128xf32>
    %exp3A_179 = math.exp %sub3A_178 : vector<1024x128xf32>
    %swap3A_180 = arith.constant 7 : index
    %swap3A_181 = arith.constant 0 : index
    %swap3A_182 = arith.constant 0 : index
    %swap3A_183 = vector.load %arg5[%swap3A_180, %swap3A_181, %swap3A_182] : memref<19x1024x128xf32, #tpu.memory_space<vmem>>, vector<1x1024x128xf32>
    %swap3A_184 = vector.shape_cast %swap3A_183 : vector<1x1024x128xf32> to vector<1024x128xf32>
    %swap3A_185 = vector.shape_cast %exp3A_179 : vector<1024x128xf32> to vector<1x1024x128xf32>
    tpu.vector_store %arg5[%swap3A_180, %swap3A_181, %swap3A_182], %swap3A_185 {strides = array<i32>} : memref<19x1024x128xf32, #tpu.memory_space<vmem>>, vector<1x1024x128xf32>,
    %add3A_186 = arith.addf %add3A_169, %exp3A_179 : vector<1024x128xf32>
    %eq3A_187 = arith.constant 1.000000e+00 : f32
    %eq3A_188 = vector.broadcast %eq3A_187 : f32 to vector<1024x128xf32>
    %eq3A_189 = arith.cmpf oeq, %exp3A_179, %eq3A_188 : vector<1024x128xf32>
    %jit3A_190 = arith.constant 7 : i32
    %broadcast_in_dim3A_191 = vector.broadcast %jit3A_190 : i32 to vector<1024x128xi32>
    %select_n3A_192 = arith.select %eq3A_189, %broadcast_in_dim3A_191, %select_n3A_175 : vector<1024x128xi1>, vector<1024x128xi32>
    %slice3A_193 = vector.extract_strided_slice %get3A_6 {offsets = [8, 0, 0], sizes = [1, 1024, 128], strides = [1, 1, 1]} : vector<19x1024x128xf32> to vector<1x1024x128xf32>
    %squeeze3A_194 = vector.shape_cast %slice3A_193 : vector<1x1024x128xf32> to vector<1024x128xf32>
    %sub3A_195 = arith.subf %squeeze3A_194, %max3A_59 : vector<1024x128xf32>
    %exp3A_196 = math.exp %sub3A_195 : vector<1024x128xf32>
    %swap3A_197 = arith.constant 8 : index
    %swap3A_198 = arith.constant 0 : index
    %swap3A_199 = arith.constant 0 : index
    %swap3A_200 = vector.load %arg5[%swap3A_197, %swap3A_198, %swap3A_199] : memref<19x1024x128xf32, #tpu.memory_space<vmem>>, vector<1x1024x128xf32>
    %swap3A_201 = vector.shape_cast %swap3A_200 : vector<1x1024x128xf32> to vector<1024x128xf32>
    %swap3A_202 = vector.shape_cast %exp3A_196 : vector<1024x128xf32> to vector<1x1024x128xf32>
    tpu.vector_store %arg5[%swap3A_197, %swap3A_198, %swap3A_199], %swap3A_202 {strides = array<i32>} : memref<19x1024x128xf32, #tpu.memory_space<vmem>>, vector<1x1024x128xf32>,
    %add3A_203 = arith.addf %add3A_186, %exp3A_196 : vector<1024x128xf32>
    %eq3A_204 = arith.constant 1.000000e+00 : f32
    %eq3A_205 = vector.broadcast %eq3A_204 : f32 to vector<1024x128xf32>
    %eq3A_206 = arith.cmpf oeq, %exp3A_196, %eq3A_205 : vector<1024x128xf32>
    %jit3A_207 = arith.constant 8 : i32
    %broadcast_in_dim3A_208 = vector.broadcast %jit3A_207 : i32 to vector<1024x128xi32>
    %select_n3A_209 = arith.select %eq3A_206, %broadcast_in_dim3A_208, %select_n3A_192 : vector<1024x128xi1>, vector<1024x128xi32>
    %slice3A_210 = vector.extract_strided_slice %get3A_6 {offsets = [9, 0, 0], sizes = [1, 1024, 128], strides = [1, 1, 1]} : vector<19x1024x128xf32> to vector<1x1024x128xf32>
    %squeeze3A_211 = vector.shape_cast %slice3A_210 : vector<1x1024x128xf32> to vector<1024x128xf32>
    %sub3A_212 = arith.subf %squeeze3A_211, %max3A_59 : vector<1024x128xf32>
    %exp3A_213 = math.exp %sub3A_212 : vector<1024x128xf32>
    %swap3A_214 = arith.constant 9 : index
    %swap3A_215 = arith.constant 0 : index
    %swap3A_216 = arith.constant 0 : index
    %swap3A_217 = vector.load %arg5[%swap3A_214, %swap3A_215, %swap3A_216] : memref<19x1024x128xf32, #tpu.memory_space<vmem>>, vector<1x1024x128xf32>
    %swap3A_218 = vector.shape_cast %swap3A_217 : vector<1x1024x128xf32> to vector<1024x128xf32>
    %swap3A_219 = vector.shape_cast %exp3A_213 : vector<1024x128xf32> to vector<1x1024x128xf32>
    tpu.vector_store %arg5[%swap3A_214, %swap3A_215, %swap3A_216], %swap3A_219 {strides = array<i32>} : memref<19x1024x128xf32, #tpu.memory_space<vmem>>, vector<1x1024x128xf32>,
    %add3A_220 = arith.addf %add3A_203, %exp3A_213 : vector<1024x128xf32>
    %eq3A_221 = arith.constant 1.000000e+00 : f32
    %eq3A_222 = vector.broadcast %eq3A_221 : f32 to vector<1024x128xf32>
    %eq3A_223 = arith.cmpf oeq, %exp3A_213, %eq3A_222 : vector<1024x128xf32>
    %jit3A_224 = arith.constant 9 : i32
    %broadcast_in_dim3A_225 = vector.broadcast %jit3A_224 : i32 to vector<1024x128xi32>
    %select_n3A_226 = arith.select %eq3A_223, %broadcast_in_dim3A_225, %select_n3A_209 : vector<1024x128xi1>, vector<1024x128xi32>
    %slice3A_227 = vector.extract_strided_slice %get3A_6 {offsets = [10, 0, 0], sizes = [1, 1024, 128], strides = [1, 1, 1]} : vector<19x1024x128xf32> to vector<1x1024x128xf32>
    %squeeze3A_228 = vector.shape_cast %slice3A_227 : vector<1x1024x128xf32> to vector<1024x128xf32>
    %sub3A_229 = arith.subf %squeeze3A_228, %max3A_59 : vector<1024x128xf32>
    %exp3A_230 = math.exp %sub3A_229 : vector<1024x128xf32>
    %swap3A_231 = arith.constant 10 : index
    %swap3A_232 = arith.constant 0 : index
    %swap3A_233 = arith.constant 0 : index
    %swap3A_234 = vector.load %arg5[%swap3A_231, %swap3A_232, %swap3A_233] : memref<19x1024x128xf32, #tpu.memory_space<vmem>>, vector<1x1024x128xf32>
    %swap3A_235 = vector.shape_cast %swap3A_234 : vector<1x1024x128xf32> to vector<1024x128xf32>
    %swap3A_236 = vector.shape_cast %exp3A_230 : vector<1024x128xf32> to vector<1x1024x128xf32>
    tpu.vector_store %arg5[%swap3A_231, %swap3A_232, %swap3A_233], %swap3A_236 {strides = array<i32>} : memref<19x1024x128xf32, #tpu.memory_space<vmem>>, vector<1x1024x128xf32>,
    %add3A_237 = arith.addf %add3A_220, %exp3A_230 : vector<1024x128xf32>
    %eq3A_238 = arith.constant 1.000000e+00 : f32
    %eq3A_239 = vector.broadcast %eq3A_238 : f32 to vector<1024x128xf32>
    %eq3A_240 = arith.cmpf oeq, %exp3A_230, %eq3A_239 : vector<1024x128xf32>
    %jit3A_241 = arith.constant 10 : i32
    %broadcast_in_dim3A_242 = vector.broadcast %jit3A_241 : i32 to vector<1024x128xi32>
    %select_n3A_243 = arith.select %eq3A_240, %broadcast_in_dim3A_242, %select_n3A_226 : vector<1024x128xi1>, vector<1024x128xi32>
    %slice3A_244 = vector.extract_strided_slice %get3A_6 {offsets = [11, 0, 0], sizes = [1, 1024, 128], strides = [1, 1, 1]} : vector<19x1024x128xf32> to vector<1x1024x128xf32>
    %squeeze3A_245 = vector.shape_cast %slice3A_244 : vector<1x1024x128xf32> to vector<1024x128xf32>
    %sub3A_246 = arith.subf %squeeze3A_245, %max3A_59 : vector<1024x128xf32>
    %exp3A_247 = math.exp %sub3A_246 : vector<1024x128xf32>
    %swap3A_248 = arith.constant 11 : index
    %swap3A_249 = arith.constant 0 : index
    %swap3A_250 = arith.constant 0 : index
    %swap3A_251 = vector.load %arg5[%swap3A_248, %swap3A_249, %swap3A_250] : memref<19x1024x128xf32, #tpu.memory_space<vmem>>, vector<1x1024x128xf32>
    %swap3A_252 = vector.shape_cast %swap3A_251 : vector<1x1024x128xf32> to vector<1024x128xf32>
    %swap3A_253 = vector.shape_cast %exp3A_247 : vector<1024x128xf32> to vector<1x1024x128xf32>
    tpu.vector_store %arg5[%swap3A_248, %swap3A_249, %swap3A_250], %swap3A_253 {strides = array<i32>} : memref<19x1024x128xf32, #tpu.memory_space<vmem>>, vector<1x1024x128xf32>,
    %add3A_254 = arith.addf %add3A_237, %exp3A_247 : vector<1024x128xf32>
    %eq3A_255 = arith.constant 1.000000e+00 : f32
    %eq3A_256 = vector.broadcast %eq3A_255 : f32 to vector<1024x128xf32>
    %eq3A_257 = arith.cmpf oeq, %exp3A_247, %eq3A_256 : vector<1024x128xf32>
    %jit3A_258 = arith.constant 11 : i32
    %broadcast_in_dim3A_259 = vector.broadcast %jit3A_258 : i32 to vector<1024x128xi32>
    %select_n3A_260 = arith.select %eq3A_257, %broadcast_in_dim3A_259, %select_n3A_243 : vector<1024x128xi1>, vector<1024x128xi32>
    %slice3A_261 = vector.extract_strided_slice %get3A_6 {offsets = [12, 0, 0], sizes = [1, 1024, 128], strides = [1, 1, 1]} : vector<19x1024x128xf32> to vector<1x1024x128xf32>
    %squeeze3A_262 = vector.shape_cast %slice3A_261 : vector<1x1024x128xf32> to vector<1024x128xf32>
    %sub3A_263 = arith.subf %squeeze3A_262, %max3A_59 : vector<1024x128xf32>
    %exp3A_264 = math.exp %sub3A_263 : vector<1024x128xf32>
    %swap3A_265 = arith.constant 12 : index
    %swap3A_266 = arith.constant 0 : index
    %swap3A_267 = arith.constant 0 : index
    %swap3A_268 = vector.load %arg5[%swap3A_265, %swap3A_266, %swap3A_267] : memref<19x1024x128xf32, #tpu.memory_space<vmem>>, vector<1x1024x128xf32>
    %swap3A_269 = vector.shape_cast %swap3A_268 : vector<1x1024x128xf32> to vector<1024x128xf32>
    %swap3A_270 = vector.shape_cast %exp3A_264 : vector<1024x128xf32> to vector<1x1024x128xf32>
    tpu.vector_store %arg5[%swap3A_265, %swap3A_266, %swap3A_267], %swap3A_270 {strides = array<i32>} : memref<19x1024x128xf32, #tpu.memory_space<vmem>>, vector<1x1024x128xf32>,
    %add3A_271 = arith.addf %add3A_254, %exp3A_264 : vector<1024x128xf32>
    %eq3A_272 = arith.constant 1.000000e+00 : f32
    %eq3A_273 = vector.broadcast %eq3A_272 : f32 to vector<1024x128xf32>
    %eq3A_274 = arith.cmpf oeq, %exp3A_264, %eq3A_273 : vector<1024x128xf32>
    %jit3A_275 = arith.constant 12 : i32
    %broadcast_in_dim3A_276 = vector.broadcast %jit3A_275 : i32 to vector<1024x128xi32>
    %select_n3A_277 = arith.select %eq3A_274, %broadcast_in_dim3A_276, %select_n3A_260 : vector<1024x128xi1>, vector<1024x128xi32>
    %slice3A_278 = vector.extract_strided_slice %get3A_6 {offsets = [13, 0, 0], sizes = [1, 1024, 128], strides = [1, 1, 1]} : vector<19x1024x128xf32> to vector<1x1024x128xf32>
    %squeeze3A_279 = vector.shape_cast %slice3A_278 : vector<1x1024x128xf32> to vector<1024x128xf32>
    %sub3A_280 = arith.subf %squeeze3A_279, %max3A_59 : vector<1024x128xf32>
    %exp3A_281 = math.exp %sub3A_280 : vector<1024x128xf32>
    %swap3A_282 = arith.constant 13 : index
    %swap3A_283 = arith.constant 0 : index
    %swap3A_284 = arith.constant 0 : index
    %swap3A_285 = vector.load %arg5[%swap3A_282, %swap3A_283, %swap3A_284] : memref<19x1024x128xf32, #tpu.memory_space<vmem>>, vector<1x1024x128xf32>
    %swap3A_286 = vector.shape_cast %swap3A_285 : vector<1x1024x128xf32> to vector<1024x128xf32>
    %swap3A_287 = vector.shape_cast %exp3A_281 : vector<1024x128xf32> to vector<1x1024x128xf32>
    tpu.vector_store %arg5[%swap3A_282, %swap3A_283, %swap3A_284], %swap3A_287 {strides = array<i32>} : memref<19x1024x128xf32, #tpu.memory_space<vmem>>, vector<1x1024x128xf32>,
    %add3A_288 = arith.addf %add3A_271, %exp3A_281 : vector<1024x128xf32>
    %eq3A_289 = arith.constant 1.000000e+00 : f32
    %eq3A_290 = vector.broadcast %eq3A_289 : f32 to vector<1024x128xf32>
    %eq3A_291 = arith.cmpf oeq, %exp3A_281, %eq3A_290 : vector<1024x128xf32>
    %jit3A_292 = arith.constant 13 : i32
    %broadcast_in_dim3A_293 = vector.broadcast %jit3A_292 : i32 to vector<1024x128xi32>
    %select_n3A_294 = arith.select %eq3A_291, %broadcast_in_dim3A_293, %select_n3A_277 : vector<1024x128xi1>, vector<1024x128xi32>
    %slice3A_295 = vector.extract_strided_slice %get3A_6 {offsets = [14, 0, 0], sizes = [1, 1024, 128], strides = [1, 1, 1]} : vector<19x1024x128xf32> to vector<1x1024x128xf32>
    %squeeze3A_296 = vector.shape_cast %slice3A_295 : vector<1x1024x128xf32> to vector<1024x128xf32>
    %sub3A_297 = arith.subf %squeeze3A_296, %max3A_59 : vector<1024x128xf32>
    %exp3A_298 = math.exp %sub3A_297 : vector<1024x128xf32>
    %swap3A_299 = arith.constant 14 : index
    %swap3A_300 = arith.constant 0 : index
    %swap3A_301 = arith.constant 0 : index
    %swap3A_302 = vector.load %arg5[%swap3A_299, %swap3A_300, %swap3A_301] : memref<19x1024x128xf32, #tpu.memory_space<vmem>>, vector<1x1024x128xf32>
    %swap3A_303 = vector.shape_cast %swap3A_302 : vector<1x1024x128xf32> to vector<1024x128xf32>
    %swap3A_304 = vector.shape_cast %exp3A_298 : vector<1024x128xf32> to vector<1x1024x128xf32>
    tpu.vector_store %arg5[%swap3A_299, %swap3A_300, %swap3A_301], %swap3A_304 {strides = array<i32>} : memref<19x1024x128xf32, #tpu.memory_space<vmem>>, vector<1x1024x128xf32>,
    %add3A_305 = arith.addf %add3A_288, %exp3A_298 : vector<1024x128xf32>
    %eq3A_306 = arith.constant 1.000000e+00 : f32
    %eq3A_307 = vector.broadcast %eq3A_306 : f32 to vector<1024x128xf32>
    %eq3A_308 = arith.cmpf oeq, %exp3A_298, %eq3A_307 : vector<1024x128xf32>
    %jit3A_309 = arith.constant 14 : i32
    %broadcast_in_dim3A_310 = vector.broadcast %jit3A_309 : i32 to vector<1024x128xi32>
    %select_n3A_311 = arith.select %eq3A_308, %broadcast_in_dim3A_310, %select_n3A_294 : vector<1024x128xi1>, vector<1024x128xi32>
    %slice3A_312 = vector.extract_strided_slice %get3A_6 {offsets = [15, 0, 0], sizes = [1, 1024, 128], strides = [1, 1, 1]} : vector<19x1024x128xf32> to vector<1x1024x128xf32>
    %squeeze3A_313 = vector.shape_cast %slice3A_312 : vector<1x1024x128xf32> to vector<1024x128xf32>
    %sub3A_314 = arith.subf %squeeze3A_313, %max3A_59 : vector<1024x128xf32>
    %exp3A_315 = math.exp %sub3A_314 : vector<1024x128xf32>
    %swap3A_316 = arith.constant 15 : index
    %swap3A_317 = arith.constant 0 : index
    %swap3A_318 = arith.constant 0 : index
    %swap3A_319 = vector.load %arg5[%swap3A_316, %swap3A_317, %swap3A_318] : memref<19x1024x128xf32, #tpu.memory_space<vmem>>, vector<1x1024x128xf32>
    %swap3A_320 = vector.shape_cast %swap3A_319 : vector<1x1024x128xf32> to vector<1024x128xf32>
    %swap3A_321 = vector.shape_cast %exp3A_315 : vector<1024x128xf32> to vector<1x1024x128xf32>
    tpu.vector_store %arg5[%swap3A_316, %swap3A_317, %swap3A_318], %swap3A_321 {strides = array<i32>} : memref<19x1024x128xf32, #tpu.memory_space<vmem>>, vector<1x1024x128xf32>,
    %add3A_322 = arith.addf %add3A_305, %exp3A_315 : vector<1024x128xf32>
    %eq3A_323 = arith.constant 1.000000e+00 : f32
    %eq3A_324 = vector.broadcast %eq3A_323 : f32 to vector<1024x128xf32>
    %eq3A_325 = arith.cmpf oeq, %exp3A_315, %eq3A_324 : vector<1024x128xf32>
    %jit3A_326 = arith.constant 15 : i32
    %broadcast_in_dim3A_327 = vector.broadcast %jit3A_326 : i32 to vector<1024x128xi32>
    %select_n3A_328 = arith.select %eq3A_325, %broadcast_in_dim3A_327, %select_n3A_311 : vector<1024x128xi1>, vector<1024x128xi32>
    %slice3A_329 = vector.extract_strided_slice %get3A_6 {offsets = [16, 0, 0], sizes = [1, 1024, 128], strides = [1, 1, 1]} : vector<19x1024x128xf32> to vector<1x1024x128xf32>
    %squeeze3A_330 = vector.shape_cast %slice3A_329 : vector<1x1024x128xf32> to vector<1024x128xf32>
    %sub3A_331 = arith.subf %squeeze3A_330, %max3A_59 : vector<1024x128xf32>
    %exp3A_332 = math.exp %sub3A_331 : vector<1024x128xf32>
    %swap3A_333 = arith.constant 16 : index
    %swap3A_334 = arith.constant 0 : index
    %swap3A_335 = arith.constant 0 : index
    %swap3A_336 = vector.load %arg5[%swap3A_333, %swap3A_334, %swap3A_335] : memref<19x1024x128xf32, #tpu.memory_space<vmem>>, vector<1x1024x128xf32>
    %swap3A_337 = vector.shape_cast %swap3A_336 : vector<1x1024x128xf32> to vector<1024x128xf32>
    %swap3A_338 = vector.shape_cast %exp3A_332 : vector<1024x128xf32> to vector<1x1024x128xf32>
    tpu.vector_store %arg5[%swap3A_333, %swap3A_334, %swap3A_335], %swap3A_338 {strides = array<i32>} : memref<19x1024x128xf32, #tpu.memory_space<vmem>>, vector<1x1024x128xf32>,
    %add3A_339 = arith.addf %add3A_322, %exp3A_332 : vector<1024x128xf32>
    %eq3A_340 = arith.constant 1.000000e+00 : f32
    %eq3A_341 = vector.broadcast %eq3A_340 : f32 to vector<1024x128xf32>
    %eq3A_342 = arith.cmpf oeq, %exp3A_332, %eq3A_341 : vector<1024x128xf32>
    %jit3A_343 = arith.constant 16 : i32
    %broadcast_in_dim3A_344 = vector.broadcast %jit3A_343 : i32 to vector<1024x128xi32>
    %select_n3A_345 = arith.select %eq3A_342, %broadcast_in_dim3A_344, %select_n3A_328 : vector<1024x128xi1>, vector<1024x128xi32>
    %slice3A_346 = vector.extract_strided_slice %get3A_6 {offsets = [17, 0, 0], sizes = [1, 1024, 128], strides = [1, 1, 1]} : vector<19x1024x128xf32> to vector<1x1024x128xf32>
    %squeeze3A_347 = vector.shape_cast %slice3A_346 : vector<1x1024x128xf32> to vector<1024x128xf32>
    %sub3A_348 = arith.subf %squeeze3A_347, %max3A_59 : vector<1024x128xf32>
    %exp3A_349 = math.exp %sub3A_348 : vector<1024x128xf32>
    %swap3A_350 = arith.constant 17 : index
    %swap3A_351 = arith.constant 0 : index
    %swap3A_352 = arith.constant 0 : index
    %swap3A_353 = vector.load %arg5[%swap3A_350, %swap3A_351, %swap3A_352] : memref<19x1024x128xf32, #tpu.memory_space<vmem>>, vector<1x1024x128xf32>
    %swap3A_354 = vector.shape_cast %swap3A_353 : vector<1x1024x128xf32> to vector<1024x128xf32>
    %swap3A_355 = vector.shape_cast %exp3A_349 : vector<1024x128xf32> to vector<1x1024x128xf32>
    tpu.vector_store %arg5[%swap3A_350, %swap3A_351, %swap3A_352], %swap3A_355 {strides = array<i32>} : memref<19x1024x128xf32, #tpu.memory_space<vmem>>, vector<1x1024x128xf32>,
    %add3A_356 = arith.addf %add3A_339, %exp3A_349 : vector<1024x128xf32>
    %eq3A_357 = arith.constant 1.000000e+00 : f32
    %eq3A_358 = vector.broadcast %eq3A_357 : f32 to vector<1024x128xf32>
    %eq3A_359 = arith.cmpf oeq, %exp3A_349, %eq3A_358 : vector<1024x128xf32>
    %jit3A_360 = arith.constant 17 : i32
    %broadcast_in_dim3A_361 = vector.broadcast %jit3A_360 : i32 to vector<1024x128xi32>
    %select_n3A_362 = arith.select %eq3A_359, %broadcast_in_dim3A_361, %select_n3A_345 : vector<1024x128xi1>, vector<1024x128xi32>
    %slice3A_363 = vector.extract_strided_slice %get3A_6 {offsets = [18, 0, 0], sizes = [1, 1024, 128], strides = [1, 1, 1]} : vector<19x1024x128xf32> to vector<1x1024x128xf32>
    %squeeze3A_364 = vector.shape_cast %slice3A_363 : vector<1x1024x128xf32> to vector<1024x128xf32>
    %sub3A_365 = arith.subf %squeeze3A_364, %max3A_59 : vector<1024x128xf32>
    %exp3A_366 = math.exp %sub3A_365 : vector<1024x128xf32>
    %swap3A_367 = arith.constant 18 : index
    %swap3A_368 = arith.constant 0 : index
    %swap3A_369 = arith.constant 0 : index
    %swap3A_370 = vector.load %arg5[%swap3A_367, %swap3A_368, %swap3A_369] : memref<19x1024x128xf32, #tpu.memory_space<vmem>>, vector<1x1024x128xf32>
    %swap3A_371 = vector.shape_cast %swap3A_370 : vector<1x1024x128xf32> to vector<1024x128xf32>
    %swap3A_372 = vector.shape_cast %exp3A_366 : vector<1024x128xf32> to vector<1x1024x128xf32>
    tpu.vector_store %arg5[%swap3A_367, %swap3A_368, %swap3A_369], %swap3A_372 {strides = array<i32>} : memref<19x1024x128xf32, #tpu.memory_space<vmem>>, vector<1x1024x128xf32>,
    %add3A_373 = arith.addf %add3A_356, %exp3A_366 : vector<1024x128xf32>
    %eq3A_374 = arith.constant 1.000000e+00 : f32
    %eq3A_375 = vector.broadcast %eq3A_374 : f32 to vector<1024x128xf32>
    %eq3A_376 = arith.cmpf oeq, %exp3A_366, %eq3A_375 : vector<1024x128xf32>
    %jit3A_377 = arith.constant 18 : i32
    %broadcast_in_dim3A_378 = vector.broadcast %jit3A_377 : i32 to vector<1024x128xi32>
    %select_n3A_379 = arith.select %eq3A_376, %broadcast_in_dim3A_378, %select_n3A_362 : vector<1024x128xi1>, vector<1024x128xi32>
    %mul3A = arith.mulf %add3A_373, %add3A_373 : vector<1024x128xf32>
    %div3A = arith.constant 1.000000e+00 : f32
    %div3A_380 = vector.broadcast %div3A : f32 to vector<1024x128xf32>
    %div3A_381 = arith.divf %div3A_380, %mul3A : vector<1024x128xf32>
    %swap3A_382 = arith.constant 0 : index
    %swap3A_383 = arith.constant 0 : index
    %swap3A_384 = arith.constant 0 : index
    %swap3A_385 = vector.load %arg4[%swap3A_382, %swap3A_383, %swap3A_384] : memref<1x1024x128xi32, #tpu.memory_space<vmem>>, vector<1x1024x128xi32>
    %swap3A_386 = vector.shape_cast %swap3A_385 : vector<1x1024x128xi32> to vector<1024x128xi32>
    %swap3A_387 = vector.shape_cast %select_n3A_379 : vector<1024x128xi32> to vector<1x1024x128xi32>
    tpu.vector_store %arg4[%swap3A_382, %swap3A_383, %swap3A_384], %swap3A_387 {strides = array<i32>} : memref<1x1024x128xi32, #tpu.memory_space<vmem>>, vector<1x1024x128xi32>,
    %get3A_388 = arith.constant 0 : index
    %get3A_389 = arith.constant 0 : index
    %get3A_390 = arith.constant 0 : index
    %get3A_391 = vector.load %arg5[%get3A_388, %get3A_389, %get3A_390] : memref<19x1024x128xf32, #tpu.memory_space<vmem>>, vector<1x1024x128xf32>
    %get3A_392 = vector.shape_cast %get3A_391 : vector<1x1024x128xf32> to vector<1024x128xf32>
    %mul3A_393 = arith.mulf %get3A_392, %get3A_392 : vector<1024x128xf32>
    %mul3A_394 = arith.mulf %mul3A_393, %div3A_381 : vector<1024x128xf32>
    %reduce_sum3A = arith.constant dense<0.000000e+00> : vector<128xf32>
    %reduce_sum3A_395 = vector.multi_reduction <add>, %mul3A_394, %reduce_sum3A [0] : vector<1024x128xf32> to vector<128xf32>
    %broadcast_in_dim3A_396 = vector.shape_cast %reduce_sum3A_395 : vector<128xf32> to vector<1x128xf32>
    %get3A_397 = arith.constant 1 : index
    %get3A_398 = arith.constant 0 : index
    %get3A_399 = arith.constant 0 : index
    %get3A_400 = vector.load %arg5[%get3A_397, %get3A_398, %get3A_399] : memref<19x1024x128xf32, #tpu.memory_space<vmem>>, vector<1x1024x128xf32>
    %get3A_401 = vector.shape_cast %get3A_400 : vector<1x1024x128xf32> to vector<1024x128xf32>
    %mul3A_402 = arith.mulf %get3A_401, %get3A_401 : vector<1024x128xf32>
    %mul3A_403 = arith.mulf %mul3A_402, %div3A_381 : vector<1024x128xf32>
    %reduce_sum3A_404 = arith.constant dense<0.000000e+00> : vector<128xf32>
    %reduce_sum3A_405 = vector.multi_reduction <add>, %mul3A_403, %reduce_sum3A_404 [0] : vector<1024x128xf32> to vector<128xf32>
    %broadcast_in_dim3A_406 = vector.shape_cast %reduce_sum3A_405 : vector<128xf32> to vector<1x128xf32>
    %get3A_407 = arith.constant 2 : index
    %get3A_408 = arith.constant 0 : index
    %get3A_409 = arith.constant 0 : index
    %get3A_410 = vector.load %arg5[%get3A_407, %get3A_408, %get3A_409] : memref<19x1024x128xf32, #tpu.memory_space<vmem>>, vector<1x1024x128xf32>
    %get3A_411 = vector.shape_cast %get3A_410 : vector<1x1024x128xf32> to vector<1024x128xf32>
    %mul3A_412 = arith.mulf %get3A_411, %get3A_411 : vector<1024x128xf32>
    %mul3A_413 = arith.mulf %mul3A_412, %div3A_381 : vector<1024x128xf32>
    %reduce_sum3A_414 = arith.constant dense<0.000000e+00> : vector<128xf32>
    %reduce_sum3A_415 = vector.multi_reduction <add>, %mul3A_413, %reduce_sum3A_414 [0] : vector<1024x128xf32> to vector<128xf32>
    %broadcast_in_dim3A_416 = vector.shape_cast %reduce_sum3A_415 : vector<128xf32> to vector<1x128xf32>
    %get3A_417 = arith.constant 3 : index
    %get3A_418 = arith.constant 0 : index
    %get3A_419 = arith.constant 0 : index
    %get3A_420 = vector.load %arg5[%get3A_417, %get3A_418, %get3A_419] : memref<19x1024x128xf32, #tpu.memory_space<vmem>>, vector<1x1024x128xf32>
    %get3A_421 = vector.shape_cast %get3A_420 : vector<1x1024x128xf32> to vector<1024x128xf32>
    %mul3A_422 = arith.mulf %get3A_421, %get3A_421 : vector<1024x128xf32>
    %mul3A_423 = arith.mulf %mul3A_422, %div3A_381 : vector<1024x128xf32>
    %reduce_sum3A_424 = arith.constant dense<0.000000e+00> : vector<128xf32>
    %reduce_sum3A_425 = vector.multi_reduction <add>, %mul3A_423, %reduce_sum3A_424 [0] : vector<1024x128xf32> to vector<128xf32>
    %broadcast_in_dim3A_426 = vector.shape_cast %reduce_sum3A_425 : vector<128xf32> to vector<1x128xf32>
    %get3A_427 = arith.constant 4 : index
    %get3A_428 = arith.constant 0 : index
    %get3A_429 = arith.constant 0 : index
    %get3A_430 = vector.load %arg5[%get3A_427, %get3A_428, %get3A_429] : memref<19x1024x128xf32, #tpu.memory_space<vmem>>, vector<1x1024x128xf32>
    %get3A_431 = vector.shape_cast %get3A_430 : vector<1x1024x128xf32> to vector<1024x128xf32>
    %mul3A_432 = arith.mulf %get3A_431, %get3A_431 : vector<1024x128xf32>
    %mul3A_433 = arith.mulf %mul3A_432, %div3A_381 : vector<1024x128xf32>
    %reduce_sum3A_434 = arith.constant dense<0.000000e+00> : vector<128xf32>
    %reduce_sum3A_435 = vector.multi_reduction <add>, %mul3A_433, %reduce_sum3A_434 [0] : vector<1024x128xf32> to vector<128xf32>
    %broadcast_in_dim3A_436 = vector.shape_cast %reduce_sum3A_435 : vector<128xf32> to vector<1x128xf32>
    %get3A_437 = arith.constant 5 : index
    %get3A_438 = arith.constant 0 : index
    %get3A_439 = arith.constant 0 : index
    %get3A_440 = vector.load %arg5[%get3A_437, %get3A_438, %get3A_439] : memref<19x1024x128xf32, #tpu.memory_space<vmem>>, vector<1x1024x128xf32>
    %get3A_441 = vector.shape_cast %get3A_440 : vector<1x1024x128xf32> to vector<1024x128xf32>
    %mul3A_442 = arith.mulf %get3A_441, %get3A_441 : vector<1024x128xf32>
    %mul3A_443 = arith.mulf %mul3A_442, %div3A_381 : vector<1024x128xf32>
    %reduce_sum3A_444 = arith.constant dense<0.000000e+00> : vector<128xf32>
    %reduce_sum3A_445 = vector.multi_reduction <add>, %mul3A_443, %reduce_sum3A_444 [0] : vector<1024x128xf32> to vector<128xf32>
    %broadcast_in_dim3A_446 = vector.shape_cast %reduce_sum3A_445 : vector<128xf32> to vector<1x128xf32>
    %get3A_447 = arith.constant 6 : index
    %get3A_448 = arith.constant 0 : index
    %get3A_449 = arith.constant 0 : index
    %get3A_450 = vector.load %arg5[%get3A_447, %get3A_448, %get3A_449] : memref<19x1024x128xf32, #tpu.memory_space<vmem>>, vector<1x1024x128xf32>
    %get3A_451 = vector.shape_cast %get3A_450 : vector<1x1024x128xf32> to vector<1024x128xf32>
    %mul3A_452 = arith.mulf %get3A_451, %get3A_451 : vector<1024x128xf32>
    %mul3A_453 = arith.mulf %mul3A_452, %div3A_381 : vector<1024x128xf32>
    %reduce_sum3A_454 = arith.constant dense<0.000000e+00> : vector<128xf32>
    %reduce_sum3A_455 = vector.multi_reduction <add>, %mul3A_453, %reduce_sum3A_454 [0] : vector<1024x128xf32> to vector<128xf32>
    %broadcast_in_dim3A_456 = vector.shape_cast %reduce_sum3A_455 : vector<128xf32> to vector<1x128xf32>
    %get3A_457 = arith.constant 7 : index
    %get3A_458 = arith.constant 0 : index
    %get3A_459 = arith.constant 0 : index
    %get3A_460 = vector.load %arg5[%get3A_457, %get3A_458, %get3A_459] : memref<19x1024x128xf32, #tpu.memory_space<vmem>>, vector<1x1024x128xf32>
    %get3A_461 = vector.shape_cast %get3A_460 : vector<1x1024x128xf32> to vector<1024x128xf32>
    %mul3A_462 = arith.mulf %get3A_461, %get3A_461 : vector<1024x128xf32>
    %mul3A_463 = arith.mulf %mul3A_462, %div3A_381 : vector<1024x128xf32>
    %reduce_sum3A_464 = arith.constant dense<0.000000e+00> : vector<128xf32>
    %reduce_sum3A_465 = vector.multi_reduction <add>, %mul3A_463, %reduce_sum3A_464 [0] : vector<1024x128xf32> to vector<128xf32>
    %broadcast_in_dim3A_466 = vector.shape_cast %reduce_sum3A_465 : vector<128xf32> to vector<1x128xf32>
    %get3A_467 = arith.constant 8 : index
    %get3A_468 = arith.constant 0 : index
    %get3A_469 = arith.constant 0 : index
    %get3A_470 = vector.load %arg5[%get3A_467, %get3A_468, %get3A_469] : memref<19x1024x128xf32, #tpu.memory_space<vmem>>, vector<1x1024x128xf32>
    %get3A_471 = vector.shape_cast %get3A_470 : vector<1x1024x128xf32> to vector<1024x128xf32>
    %mul3A_472 = arith.mulf %get3A_471, %get3A_471 : vector<1024x128xf32>
    %mul3A_473 = arith.mulf %mul3A_472, %div3A_381 : vector<1024x128xf32>
    %reduce_sum3A_474 = arith.constant dense<0.000000e+00> : vector<128xf32>
    %reduce_sum3A_475 = vector.multi_reduction <add>, %mul3A_473, %reduce_sum3A_474 [0] : vector<1024x128xf32> to vector<128xf32>
    %broadcast_in_dim3A_476 = vector.shape_cast %reduce_sum3A_475 : vector<128xf32> to vector<1x128xf32>
    %get3A_477 = arith.constant 9 : index
    %get3A_478 = arith.constant 0 : index
    %get3A_479 = arith.constant 0 : index
    %get3A_480 = vector.load %arg5[%get3A_477, %get3A_478, %get3A_479] : memref<19x1024x128xf32, #tpu.memory_space<vmem>>, vector<1x1024x128xf32>
    %get3A_481 = vector.shape_cast %get3A_480 : vector<1x1024x128xf32> to vector<1024x128xf32>
    %mul3A_482 = arith.mulf %get3A_481, %get3A_481 : vector<1024x128xf32>
    %mul3A_483 = arith.mulf %mul3A_482, %div3A_381 : vector<1024x128xf32>
    %reduce_sum3A_484 = arith.constant dense<0.000000e+00> : vector<128xf32>
    %reduce_sum3A_485 = vector.multi_reduction <add>, %mul3A_483, %reduce_sum3A_484 [0] : vector<1024x128xf32> to vector<128xf32>
    %broadcast_in_dim3A_486 = vector.shape_cast %reduce_sum3A_485 : vector<128xf32> to vector<1x128xf32>
    %get3A_487 = arith.constant 10 : index
    %get3A_488 = arith.constant 0 : index
    %get3A_489 = arith.constant 0 : index
    %get3A_490 = vector.load %arg5[%get3A_487, %get3A_488, %get3A_489] : memref<19x1024x128xf32, #tpu.memory_space<vmem>>, vector<1x1024x128xf32>
    %get3A_491 = vector.shape_cast %get3A_490 : vector<1x1024x128xf32> to vector<1024x128xf32>
    %mul3A_492 = arith.mulf %get3A_491, %get3A_491 : vector<1024x128xf32>
    %mul3A_493 = arith.mulf %mul3A_492, %div3A_381 : vector<1024x128xf32>
    %reduce_sum3A_494 = arith.constant dense<0.000000e+00> : vector<128xf32>
    %reduce_sum3A_495 = vector.multi_reduction <add>, %mul3A_493, %reduce_sum3A_494 [0] : vector<1024x128xf32> to vector<128xf32>
    %broadcast_in_dim3A_496 = vector.shape_cast %reduce_sum3A_495 : vector<128xf32> to vector<1x128xf32>
    %get3A_497 = arith.constant 11 : index
    %get3A_498 = arith.constant 0 : index
    %get3A_499 = arith.constant 0 : index
    %get3A_500 = vector.load %arg5[%get3A_497, %get3A_498, %get3A_499] : memref<19x1024x128xf32, #tpu.memory_space<vmem>>, vector<1x1024x128xf32>
    %get3A_501 = vector.shape_cast %get3A_500 : vector<1x1024x128xf32> to vector<1024x128xf32>
    %mul3A_502 = arith.mulf %get3A_501, %get3A_501 : vector<1024x128xf32>
    %mul3A_503 = arith.mulf %mul3A_502, %div3A_381 : vector<1024x128xf32>
    %reduce_sum3A_504 = arith.constant dense<0.000000e+00> : vector<128xf32>
    %reduce_sum3A_505 = vector.multi_reduction <add>, %mul3A_503, %reduce_sum3A_504 [0] : vector<1024x128xf32> to vector<128xf32>
    %broadcast_in_dim3A_506 = vector.shape_cast %reduce_sum3A_505 : vector<128xf32> to vector<1x128xf32>
    %get3A_507 = arith.constant 12 : index
    %get3A_508 = arith.constant 0 : index
    %get3A_509 = arith.constant 0 : index
    %get3A_510 = vector.load %arg5[%get3A_507, %get3A_508, %get3A_509] : memref<19x1024x128xf32, #tpu.memory_space<vmem>>, vector<1x1024x128xf32>
    %get3A_511 = vector.shape_cast %get3A_510 : vector<1x1024x128xf32> to vector<1024x128xf32>
    %mul3A_512 = arith.mulf %get3A_511, %get3A_511 : vector<1024x128xf32>
    %mul3A_513 = arith.mulf %mul3A_512, %div3A_381 : vector<1024x128xf32>
    %reduce_sum3A_514 = arith.constant dense<0.000000e+00> : vector<128xf32>
    %reduce_sum3A_515 = vector.multi_reduction <add>, %mul3A_513, %reduce_sum3A_514 [0] : vector<1024x128xf32> to vector<128xf32>
    %broadcast_in_dim3A_516 = vector.shape_cast %reduce_sum3A_515 : vector<128xf32> to vector<1x128xf32>
    %get3A_517 = arith.constant 13 : index
    %get3A_518 = arith.constant 0 : index
    %get3A_519 = arith.constant 0 : index
    %get3A_520 = vector.load %arg5[%get3A_517, %get3A_518, %get3A_519] : memref<19x1024x128xf32, #tpu.memory_space<vmem>>, vector<1x1024x128xf32>
    %get3A_521 = vector.shape_cast %get3A_520 : vector<1x1024x128xf32> to vector<1024x128xf32>
    %mul3A_522 = arith.mulf %get3A_521, %get3A_521 : vector<1024x128xf32>
    %mul3A_523 = arith.mulf %mul3A_522, %div3A_381 : vector<1024x128xf32>
    %reduce_sum3A_524 = arith.constant dense<0.000000e+00> : vector<128xf32>
    %reduce_sum3A_525 = vector.multi_reduction <add>, %mul3A_523, %reduce_sum3A_524 [0] : vector<1024x128xf32> to vector<128xf32>
    %broadcast_in_dim3A_526 = vector.shape_cast %reduce_sum3A_525 : vector<128xf32> to vector<1x128xf32>
    %get3A_527 = arith.constant 14 : index
    %get3A_528 = arith.constant 0 : index
    %get3A_529 = arith.constant 0 : index
    %get3A_530 = vector.load %arg5[%get3A_527, %get3A_528, %get3A_529] : memref<19x1024x128xf32, #tpu.memory_space<vmem>>, vector<1x1024x128xf32>
    %get3A_531 = vector.shape_cast %get3A_530 : vector<1x1024x128xf32> to vector<1024x128xf32>
    %mul3A_532 = arith.mulf %get3A_531, %get3A_531 : vector<1024x128xf32>
    %mul3A_533 = arith.mulf %mul3A_532, %div3A_381 : vector<1024x128xf32>
    %reduce_sum3A_534 = arith.constant dense<0.000000e+00> : vector<128xf32>
    %reduce_sum3A_535 = vector.multi_reduction <add>, %mul3A_533, %reduce_sum3A_534 [0] : vector<1024x128xf32> to vector<128xf32>
    %broadcast_in_dim3A_536 = vector.shape_cast %reduce_sum3A_535 : vector<128xf32> to vector<1x128xf32>
    %get3A_537 = arith.constant 15 : index
    %get3A_538 = arith.constant 0 : index
    %get3A_539 = arith.constant 0 : index
    %get3A_540 = vector.load %arg5[%get3A_537, %get3A_538, %get3A_539] : memref<19x1024x128xf32, #tpu.memory_space<vmem>>, vector<1x1024x128xf32>
    %get3A_541 = vector.shape_cast %get3A_540 : vector<1x1024x128xf32> to vector<1024x128xf32>
    %mul3A_542 = arith.mulf %get3A_541, %get3A_541 : vector<1024x128xf32>
    %mul3A_543 = arith.mulf %mul3A_542, %div3A_381 : vector<1024x128xf32>
    %reduce_sum3A_544 = arith.constant dense<0.000000e+00> : vector<128xf32>
    %reduce_sum3A_545 = vector.multi_reduction <add>, %mul3A_543, %reduce_sum3A_544 [0] : vector<1024x128xf32> to vector<128xf32>
    %broadcast_in_dim3A_546 = vector.shape_cast %reduce_sum3A_545 : vector<128xf32> to vector<1x128xf32>
    %get3A_547 = arith.constant 16 : index
    %get3A_548 = arith.constant 0 : index
    %get3A_549 = arith.constant 0 : index
    %get3A_550 = vector.load %arg5[%get3A_547, %get3A_548, %get3A_549] : memref<19x1024x128xf32, #tpu.memory_space<vmem>>, vector<1x1024x128xf32>
    %get3A_551 = vector.shape_cast %get3A_550 : vector<1x1024x128xf32> to vector<1024x128xf32>
    %mul3A_552 = arith.mulf %get3A_551, %get3A_551 : vector<1024x128xf32>
    %mul3A_553 = arith.mulf %mul3A_552, %div3A_381 : vector<1024x128xf32>
    %reduce_sum3A_554 = arith.constant dense<0.000000e+00> : vector<128xf32>
    %reduce_sum3A_555 = vector.multi_reduction <add>, %mul3A_553, %reduce_sum3A_554 [0] : vector<1024x128xf32> to vector<128xf32>
    %broadcast_in_dim3A_556 = vector.shape_cast %reduce_sum3A_555 : vector<128xf32> to vector<1x128xf32>
    %get3A_557 = arith.constant 17 : index
    %get3A_558 = arith.constant 0 : index
    %get3A_559 = arith.constant 0 : index
    %get3A_560 = vector.load %arg5[%get3A_557, %get3A_558, %get3A_559] : memref<19x1024x128xf32, #tpu.memory_space<vmem>>, vector<1x1024x128xf32>
    %get3A_561 = vector.shape_cast %get3A_560 : vector<1x1024x128xf32> to vector<1024x128xf32>
    %mul3A_562 = arith.mulf %get3A_561, %get3A_561 : vector<1024x128xf32>
    %mul3A_563 = arith.mulf %mul3A_562, %div3A_381 : vector<1024x128xf32>
    %reduce_sum3A_564 = arith.constant dense<0.000000e+00> : vector<128xf32>
    %reduce_sum3A_565 = vector.multi_reduction <add>, %mul3A_563, %reduce_sum3A_564 [0] : vector<1024x128xf32> to vector<128xf32>
    %broadcast_in_dim3A_566 = vector.shape_cast %reduce_sum3A_565 : vector<128xf32> to vector<1x128xf32>
    %get3A_567 = arith.constant 18 : index
    %get3A_568 = arith.constant 0 : index
    %get3A_569 = arith.constant 0 : index
    %get3A_570 = vector.load %arg5[%get3A_567, %get3A_568, %get3A_569] : memref<19x1024x128xf32, #tpu.memory_space<vmem>>, vector<1x1024x128xf32>
    %get3A_571 = vector.shape_cast %get3A_570 : vector<1x1024x128xf32> to vector<1024x128xf32>
    %mul3A_572 = arith.mulf %get3A_571, %get3A_571 : vector<1024x128xf32>
    %mul3A_573 = arith.mulf %mul3A_572, %div3A_381 : vector<1024x128xf32>
    %reduce_sum3A_574 = arith.constant dense<0.000000e+00> : vector<128xf32>
    %reduce_sum3A_575 = vector.multi_reduction <add>, %mul3A_573, %reduce_sum3A_574 [0] : vector<1024x128xf32> to vector<128xf32>
    %broadcast_in_dim3A_576 = vector.shape_cast %reduce_sum3A_575 : vector<128xf32> to vector<1x128xf32>
    %broadcast_in_dim3A_577 = arith.constant 0.000000e+00 : f32
    %broadcast_in_dim3A_578 = vector.broadcast %broadcast_in_dim3A_577 : f32 to vector<1x128xf32>
    %get3A_579 = arith.constant 0 : index
    %get3A_580 = arith.constant 0 : index
    %get3A_581 = arith.constant 0 : index
    %get3A_582 = vector.load %arg3[%get3A_579, %get3A_580, %get3A_581] : memref<1x24x128xf32, #tpu.memory_space<vmem>>, vector<1x24x128xf32>
    %concatenate3A = tpu.concatenate %broadcast_in_dim3A_396, %broadcast_in_dim3A_406, %broadcast_in_dim3A_416, %broadcast_in_dim3A_426, %broadcast_in_dim3A_436, %broadcast_in_dim3A_446, %broadcast_in_dim3A_456, %broadcast_in_dim3A_466, %broadcast_in_dim3A_476, %broadcast_in_dim3A_486, %broadcast_in_dim3A_496, %broadcast_in_dim3A_506, %broadcast_in_dim3A_516, %broadcast_in_dim3A_526, %broadcast_in_dim3A_536, %broadcast_in_dim3A_546, %broadcast_in_dim3A_556, %broadcast_in_dim3A_566, %broadcast_in_dim3A_576, %broadcast_in_dim3A_578, %broadcast_in_dim3A_578, %broadcast_in_dim3A_578, %broadcast_in_dim3A_578, %broadcast_in_dim3A_578 in 0 : vector<1x128xf32>, vector<1x128xf32>, vector<1x128xf32>, vector<1x128xf32>, vector<1x128xf32>, vector<1x128xf32>, vector<1x128xf32>, vector<1x128xf32>, vector<1x128xf32>, vector<1x128xf32>, vector<1x128xf32>, vector<1x128xf32>, vector<1x128xf32>, vector<1x128xf32>, vector<1x128xf32>, vector<1x128xf32>, vector<1x128xf32>, vector<1x128xf32>, vector<1x128xf32>, vector<1x128xf32>, vector<1x128xf32>, vector<1x128xf32>, vector<1x128xf32>, vector<1x128xf32> -> vector<24x128xf32>
    %broadcast_in_dim3A_583 = vector.shape_cast %concatenate3A : vector<24x128xf32> to vector<1x24x128xf32>
    %add3A_584 = arith.addf %get3A_582, %broadcast_in_dim3A_583 : vector<1x24x128xf32>
    %swap3A_585 = arith.constant 0 : index
    %swap3A_586 = arith.constant 0 : index
    %swap3A_587 = arith.constant 0 : index
    %swap3A_588 = vector.load %arg3[%swap3A_585, %swap3A_586, %swap3A_587] : memref<1x24x128xf32, #tpu.memory_space<vmem>>, vector<1x24x128xf32>
    tpu.vector_store %arg3[%swap3A_585, %swap3A_586, %swap3A_587], %add3A_584 {strides = array<i32>} : memref<1x24x128xf32, #tpu.memory_space<vmem>>, vector<1x24x128xf32>,
    return
  }
  func.func @transform_0(%arg0: i32, %arg1: i32) -> (i32, i32, i32, i32) {
    %c0_i32 = arith.constant 0 : i32
    %c0_i32_0 = arith.constant 0 : i32
    %c0_i32_1 = arith.constant 0 : i32
    return %arg0, %c0_i32, %arg1, %c0_i32_0 : i32, i32, i32, i32
  }
  func.func @transform_1(%arg0: i32, %arg1: i32) -> (i32, i32, i32) {
    %c0_i32 = arith.constant 0 : i32
    %c0_i32_0 = arith.constant 0 : i32
    %c0_i32_1 = arith.constant 0 : i32
    return %arg0, %c0_i32, %c0_i32_0 : i32, i32, i32
  }
  func.func @transform_2(%arg0: i32, %arg1: i32) -> (i32, i32, i32) {
    %c0_i32 = arith.constant 0 : i32
    %c0_i32_0 = arith.constant 0 : i32
    return %arg0, %arg1, %c0_i32 : i32, i32, i32
  }
}

</mosaic_0001>

<sc_bundles>
// kernel: kernel.5.cloned.1.call-start
scs
__scs_entry_jumppad:
0x0: {  	(pc) =	sbr.rel $0x88, $3  }
0x1: {  	(tag) =	ssettag $0x0;
	lr =	simm.s32 $0x1  }
0x2: {  	[smem:$0x3FA0] =	sst lr;
	_ =	strace $0xD0000000  }
0x3: {  	_ = 	snop  }
0x4: {  	_ = 	snop  }
0x5: {  	_ = 	snop  }
0x6: {  	_ = 	snop  }
0x7: {  	_ = 	snop  }
__scs_overlays_trampoline_lowered:
0x8: {  	[smem:$0x3FAF] =	sst s0  }
0x9: {  	[smem:$0x3FB0] =	sst s1  }
0xa: {  	[smem:$0x3FB1] =	sst s2  }
0xb: {  	[smem:$0x3FB2] =	sst s3  }
0xc: {  	[smem:$0x3FB3] =	sst s4  }
0xd: {  	[smem:$0x3FB4] =	sst s5  }
0xe: {  	[smem:$0x3FB5] =	sst s6  }
0xf: {  	[smem:$0x3FB6] =	sst s7  }
0x10: {  	[smem:$0x3FB7] =	sst s8  }
0x11: {  	[smem:$0x3FB8] =	sst s9;
	s0 =	simm.s32 @!p0 $0x0  }
0x12: {  	s1 =	sld [smem:$0x3F9E];
	s0 =	simm.s32 @p0 $0x1  }
0x13: {  	[smem:$0x3FB9] =	sst s0;
	s0 =	simm.s32 @!p1 $0x0  }
0x14: {  	s2 =	sld [smem:$0x3F9D];
	s0 =	simm.s32 @p1 $0x1  }
0x15: {  	[smem:$0x3FBA] =	sst s0;
	s0 =	simm.s32 @!p2 $0x0  }
0x16: {  	s3 =	sld [smem:$0x3FDB];
	s0 =	simm.s32 @p2 $0x1  }
0x17: {  	s4 =	simm.s32 $0x1BF5;
	[smem:$0x3FBC] =	sst s0  }
0x18: {  	s0 =	sld [smem:$0x3F9F];
	_ =	swait.ge [sflag:s4], $0x0  }
0x19: {  	s7 =	sld [smem:$0x3FA0]  }
0x1a: {  	s8 =	sadd.s32 $0xFFFFE003, lr  }
0x1b: {  	s9 =	sadd.s32 $0xFFFFFEF7, lr;
	s5 =	simm.s32 $0xFFFFFFFF;
	p2 =	slt.u32 s8, $0xFFFFF086  }
0x1c: {  	p1 =	slt.u32 s9, $0xF7A;
	s5 =	simm.s32 @!p2 $0x0  }
0x1d: {  	s5 =	simm.s32 @p1 $0x1;
	p0 =	seq.s32 s7, s2  }
0x1e: {  	s7 =	smul.u32 @!p0 $0xF7A, s2;
	p2 =	seq.s32 @!p0 s5, $0x0  }
0x1f: {  	s9 =	smul.u32 $0xF7A, s1;
	s8 =	simm.s32 @!p0 $0x1BF5;
	p2 =	por !p2, p0  }
0x20: {  	[sflag:s8] =	ssyncset.s32 @!p0 $0xFFFFF086;
	s6 =	sadd.s32 @!p0 s3, s7;
	s7 =	simm.s32 @!p0 $0x108  }
0x21: {  	s3 =	sadd.s32 s3, s9;
	s6 =	sadd.s32 @!p0 $0x88, s6;
	s7 =	simm.s32 @p2 $0x1082  }
0x22: {  	[simem:s7], [sflag:s8] =	dma.local @!p0 [hbm:s6], $0xF7A  }
0x23: {  	s9 =	sor.u32 $0xD0000000, s2;
	s6 =	simm.s32 $0x108;
	_ =	swait.ge @!p0 [sflag:s8], $0x0  }
0x24: {  	s3 =	sadd.s32 $0x88, s3;
	s6 =	simm.s32 @!p1 $0x1082;
	[sflag:s4] =	ssyncset.s32 $0xFFFFF086  }
0x25: {  	[simem:s6], [sflag:s4] =	dma.local [hbm:s3], $0xF7A  }
0x26: {  	[smem:$0x3FA0] =	sst s1;
	(tag) =	ssettag s2;
	_ =	strace s9  }
0x27: {  	s1 =	sld [smem:$0x3FB0]  }
0x28: {  	s2 =	sld [smem:$0x3FB1]  }
0x29: {  	s4 =	sld [smem:$0x3FB3]  }
0x2a: {  	p0 =	seq.s32 s5, $0x0;
	s5 =	sld [smem:$0x3FB4]  }
0x2b: {  	s6 =	sld [smem:$0x3FB5]  }
0x2c: {  	s7 =	sld [smem:$0x3FB6]  }
0x2d: {  	s3 =	simm.s32 $0x108;
	s8 =	sld [smem:$0x3FB7]  }
0x2e: {  	s3 =	simm.s32 @!p0 $0x1082;
	s9 =	sld [smem:$0x3FB8]  }
0x2f: {  	lr =	sadd.s32 s0, s3;
	s0 =	sld [smem:$0x3FAF]  }
0x30: {  	s3 =	sld [smem:$0x3FB2]  }
0x31: {  	[smem:$0x3FBB] =	sst s10  }
0x32: {  	s10 =	sld [smem:$0x3FB9];
	_ =	sdelay $0x3  }
0x33: {  	p0 =	seq.s32 s10, $0x1;
	s10 =	sld [smem:$0x3FBB];
	_ =	sdelay $0x3  }
0x34: {  	[smem:$0x3FBB] =	sst s10  }
0x35: {  	s10 =	sld [smem:$0x3FBA];
	_ =	sdelay $0x3  }
0x36: {  	p1 =	seq.s32 s10, $0x1;
	s10 =	sld [smem:$0x3FBB];
	_ =	sdelay $0x3  }
0x37: {  	[smem:$0x3FBB] =	sst s10  }
0x38: {  	s10 =	sld [smem:$0x3FBC]  }
0x39: {  	_ = 	snop;
	(pc) =	sbr.ind lr, $3  }
0x3a: {  	_ = 	snop  }
0x3b: {  	_ = 	snop  }
0x3c: {  	p2 =	seq.s32 s10, $0x1;
	s10 =	sld [smem:$0x3FBB]  }
0x3d: {  	_ =	shalt  }
0x3e: {  	_ =	shalt  }
0x3f: {  	_ =	shalt  }
0x40: {  	_ =	shalt  }
0x41: {  	_ =	shalt  }
0x42: {  	_ =	shalt  }
0x43: {  	_ =	shalt  }
0x44: {  	_ =	shalt  }
0x45: {  	_ =	shalt  }
0x46: {  	_ =	shalt  }
0x47: {  	_ =	shalt  }
0x48: {  	_ =	shalt  }
0x49: {  	_ =	shalt  }
0x4a: {  	_ =	shalt  }
0x4b: {  	_ =	shalt  }
0x4c: {  	_ =	shalt  }
0x4d: {  	_ =	shalt  }
0x4e: {  	_ =	shalt  }
0x4f: {  	_ =	shalt  }
0x50: {  	_ =	shalt  }
0x51: {  	_ =	shalt  }
0x52: {  	_ =	shalt  }
0x53: {  	_ =	shalt  }
0x54: {  	_ =	shalt  }
0x55: {  	_ =	shalt  }
0x56: {  	_ =	shalt  }
0x57: {  	_ =	shalt  }
0x58: {  	_ =	shalt  }
0x59: {  	_ =	shalt  }
0x5a: {  	_ =	shalt  }
0x5b: {  	_ =	shalt  }
0x5c: {  	_ =	shalt  }
0x5d: {  	_ =	shalt  }
0x5e: {  	_ =	shalt  }
0x5f: {  	_ =	shalt  }
0x60: {  	_ =	shalt  }
0x61: {  	_ =	shalt  }
0x62: {  	_ =	shalt  }
0x63: {  	_ =	shalt  }
0x64: {  	_ =	shalt  }
0x65: {  	_ =	shalt  }
0x66: {  	_ =	shalt  }
0x67: {  	_ =	shalt  }
0x68: {  	_ =	shalt  }
0x69: {  	_ =	shalt  }
0x6a: {  	_ =	shalt  }
0x6b: {  	_ =	shalt  }
0x6c: {  	_ =	shalt  }
0x6d: {  	_ =	shalt  }
0x6e: {  	_ =	shalt  }
0x6f: {  	_ =	shalt  }
0x70: {  	_ =	shalt  }
0x71: {  	_ =	shalt  }
0x72: {  	_ =	shalt  }
0x73: {  	_ =	shalt  }
0x74: {  	_ =	shalt  }
0x75: {  	_ =	shalt  }
0x76: {  	_ =	shalt  }
0x77: {  	_ =	shalt  }
0x78: {  	_ =	shalt  }
0x79: {  	_ =	shalt  }
0x7a: {  	_ =	shalt  }
0x7b: {  	_ =	shalt  }
0x7c: {  	_ =	shalt  }
0x7d: {  	_ =	shalt  }
0x7e: {  	_ =	shalt  }
0x7f: {  	_ =	shalt  }
0x80: {  	_ =	shalt  }
0x81: {  	_ =	shalt  }
0x82: {  	_ =	shalt  }
0x83: {  	_ =	shalt  }
0x84: {  	_ =	shalt  }
0x85: {  	_ =	shalt  }
0x86: {  	_ =	shalt  }
0x87: {  	_ =	shalt  }
.Lfunc_end0:
.L_simem_size_0:
called_computation_lowered:
.L_overlay_start_0:
0x88: {  	s2 =	sld [smem:$0x3FD9]  }
0x89: {  	s3 =	sld [smem:$0x3FFE];
	_ =	sdelay $0x1  }
0x8a: {  	s1 =	srdreg.scid  }
0x8b: {  	s0 =	sand.u32 $0x1, s1  }
0x8c: {  	s16 =	sshll.u32 s0, $0xA;
	s2 =	sadd.s32 s3, s2  }
0x8d: {  	s2 =	sadd.s32 s2, s16  }
0x8e: {  	[smem:$0x3FC7] =	sst s2  }
0x8f: {  	_ = 	snop  }
0x90: {  	(tm) =	ssettm $0x1  }
0x91: {  	s17 =	sld [smem:$0x3FFB];
	_ =	sdelay $0x3  }
0x92: {  	_ =	strace s17  }
0x93: {  	s2 =	sld [smem:$0x3FFC];
	_ =	sdelay $0x3  }
0x94: {  	_ =	strace s2  }
0x95: {  	s2 =	sld [smem:$0x3FFD];
	_ =	sdelay $0x3  }
0x96: {  	_ =	strace s2  }
0x97: {  	_ =	strace $0x8FFFFFFF  }
0x98: {  	s18 =	sld [smem:$0x3FDB];
	_ =	sdelay $0x1  }
0x99: {  	s19 =	simm.s32 $_scs_section_size  }
0x9a: {  	s4 =	simm.s32 $_size__tile_overlayer_lowered;
	s5 =	simm.s32 $_tile_overlayer_lowered  }
0x9b: {  	s22 =	simm.s32 $0x1BFF;
	s21 =	sshll.u32 s5, $0x1;
	s2 =	sadd.s32 s19, s18  }
0x9c: {  	s6 =	simm.s32 $0x0;
	s20 =	sshll.u32 s4, $0x1;
	s4 =	sadd.s32 s21, s2  }
0x9d: {  	[timem:s6], [sflag:s22] =	dma.local [hbm:s4], s20  }
0x9e: {  	_ =	swait.ge [sflag:s22], s20  }
0x9f: {  	s3 =	ssub.s32 $0x0, s20;
	[sflag:s22] =	ssyncset.done $0x0  }
0xa0: {  	[sflag:s22] =	ssyncadd.s32 s3;
	_ =	sdelay $0x1  }
0xa1: {  	s23 =	simm.s32 $0x1B8B  }
0xa2: {  	_ =	swait.ge [sflag:s23], $0x1  }
0xa3: {  	[sflag:s23] =	ssyncset.done $0x0  }
0xa4: {  	s25 =	simm.s32 $0x1B8E;
	s24 =	sld [smem:$0x3FFE];
	[sflag:s23] =	ssyncadd.s32 $0xFFFFFFFF  }
0xa5: {  	s26 =	simm.s32 $execute0_lowered;
	[smem:$0x3FD2] =	sst s25  }
0xa6: {  	s4 =	sshll.u32 s26, $0x1;
	_ =	strace $0x80000046;
	[dreg:$0x1] =	wrdreg $0xFFFFFFFF  }
0xa7: {  	s28 =	simm.s32 $_size_execute0_lowered;
	s2 =	sadd.s32 s2, s4;
	[dreg:$0x0] =	wrdreg $0x0  }
0xa8: {  	s4 =	sshll.u32 s28, $0x1;
	[dreg:$0x2] =	wrdreg s2  }
0xa9: {  	[dreg:$0x3] =	wrdreg s4  }
0xaa: {  	[dreg:$0x4] =	wrdreg $0xC0  }
0xab: {  	_ =	task [dreg:s6], $0x5FFFF  }
0xac: {  	[dreg:$0x1] =	wrdreg $0xFFFFFFFF  }
0xad: {  	[dreg:$0x0] =	wrdreg $0x60  }
0xae: {  	[dreg:$0x2] =	wrdreg s24  }
0xaf: {  	[dreg:$0x3] =	wrdreg $0x9  }
0xb0: {  	_ =	task.clear_ibuf [dreg:s6], $0x4FFFF;
	_ =	strace $0x90000046  }
0xb1: {  	s29 =	simm.s32 $0x9;
	_ =	strace $0x80000048  }
0xb2: {  	_ =	swait.ge [sflag:s29], $0x1  }
0xb3: {  	[sflag:s29] =	ssyncadd.s32 $0xFFFFFFFF  }
0xb4: {  	_ =	strace $0x90000048  }
0xb5: {  	_ =	sfence  }
0xb6: {  	s30 =	sld [smem:$0x0];
	_ =	sdelay $0x2  }
0xb7: {  	s31 =	sshll.u32 s1, $0xD;
	s1 =	sshrl.u32 s1, $0x2  }
0xb8: {  	s3 =	sand.u32 $0x4000, s31;
	s1 =	sadd.s32 s1, s30  }
0xb9: {  	s0 =	sor.u32 s3, s0;
	s1 =	sshll.u32 s1, $0x11  }
0xba: {  	s0 =	sor.u32 s1, s0  }
0xbb: {  	s0 =	sadd.s32 $0x8F2B, s0  }
0xbc: {  	[sflag:s0] =	ssyncadd.remote.s32 $0x1  }
0xbd: {  	_ =	sfence.sel $0xFFFF  }
0xbe: {  	[dreg:$0x0] =	wrdreg $0xFFFFFFFF;
	(pc) =	sbr.abs _section_cstart, $3  }
0xbf: {  	[dreg:$0x1] =	wrdreg $0xFFFFFFFF  }
0xc0: {  	_ =	task.clear_ibuf [dreg:s6], $0x2FFFF;
	_ =	strace $0x9FFFFFFF  }
0xc1: {  	(tm) =	ssettm $0x7FFFFFFF  }
tec
execute0_lowered:
.L_overlay_start_1:
0x0: {  	(tag) =	ssettag $0x1  }
0x1: {  	s1 =	srdreg.scid;
	s0 =	stileid.u32  }
0x2: {  	s3 =	sand.u32 $0x1, s1;
	s29 =	sshll.u32 s0, $0x1  }
0x3: {  	s5 =	rddreg [dreg:$0x0];
	s6 =	sshrl.u32 s0, $0x1;
	s4 =	sor.u32 s3, s29  }
0x4: {  	s2 =	simm.s32 $0x0;
	s6 =	smul.u32 $0xC00, s6;
	s1 =	sand.u32 $0x3, s4  }
0x5: {  	s8 =	simm.s32 $0x0;
	s3 =	ssub.s32 $0x2, s3;
	s7 =	smul.u32 $0x6000, s1  }
0x6: {  	[smem:$0x7FF] =	sst s2;
	s4 =	sshll.u32 s4, $0xD;
	s30 =	sshrl.u32 s3, $0x1  }
0x7: {  	s1 =	rddreg [dreg:$0x1];
	_ =	strace $0x80000047;
	s6 =	sadd.s32 s6, s7  }
0x8: {  	s4 =	sadd.s32 s4, s5;
	s31 =	ssub.s32 s3, s30;
	s6 =	sshrl.u32 s6, $0x3  }
0x9: {  	s3 =	sadd.s32 $0xA00, s4;
	s7 =	simm.s32 $0x10000;
	s5 =	sadd.s32 s6, s5  }
0xa: {  	v0 =	vimm.f32 $0.0e+00;
	v1 =	vlaneseq.u32;
	v2 =	vimm.f32 $1.000000000e+00;
	s6 =	simm.s32 $0x1;
	s4 =	sadd.s32 $0x40A00, s5;
	s5 =	smax.u32 s31, $0x1  }
.LBB2_1:
0xb: {  	[tilespmem:s2], [sflag:$0x1] =	stream.linear.gather [hbm4b:s3+s2], $0x10000, $0x38;
	[tilespmem:$0x10C00] =	vst v63  }
0xc: {  	_ =	swait.ge [sflag:s6], $0x10000  }
0xd: {  	[sflag:s6] =	ssyncset.done $0x0  }
0xe: {  	[sflag:s6] =	ssyncadd.s32 $0xFFFF0000  }
0xf: {  	[tilespmem:$0x10000] =	vst v0  }
0x10: {  	[tilespmem:$0x10080] =	vst v0  }
0x11: {  	[tilespmem:$0x10100] =	vst v0  }
0x12: {  	[tilespmem:$0x10180] =	vst v0  }
0x13: {  	[tilespmem:$0x10200] =	vst v0  }
0x14: {  	[tilespmem:$0x10280] =	vst v0  }
0x15: {  	[tilespmem:$0x10300] =	vst v0  }
0x16: {  	[tilespmem:$0x10380] =	vst v0  }
0x17: {  	[tilespmem:$0x10400] =	vst v0  }
0x18: {  	[tilespmem:$0x10480] =	vst v0  }
0x19: {  	[tilespmem:$0x10500] =	vst v0  }
0x1a: {  	[tilespmem:$0x10580] =	vst v0  }
0x1b: {  	[tilespmem:$0x10600] =	vst v0  }
0x1c: {  	[tilespmem:$0x10680] =	vst v0  }
0x1d: {  	[tilespmem:$0x10700] =	vst v0  }
0x1e: {  	[tilespmem:$0x10780] =	vst v0  }
0x1f: {  	[tilespmem:$0x10800] =	vst v0  }
0x20: {  	[tilespmem:$0x10880] =	vst v0  }
0x21: {  	[tilespmem:$0x10900] =	vst v0  }
0x22: {  	[tilespmem:$0x10980] =	vst v0  }
0x23: {  	[tilespmem:$0x10A00] =	vst v0  }
0x24: {  	[tilespmem:$0x10A80] =	vst v0  }
0x25: {  	[tilespmem:$0x10B00] =	vst v0  }
0x26: {  	s9 =	simm.s32 $0x0;
	[tilespmem:$0x10B80] =	vst v0  }
.LBB2_2:
0x27: {  	s10 =	sshra.s32 s9, $0x2  }
0x28: {  	v3 =	vld [tilespmem:s10+$0x0];
	_ =	sdelay $0x4  }
0x29: {  	v3 =	vshll.u32 v3, $0x7  }
0x2a: {  	v3 =	vor.u32 v1, v3;
	_ =	sdelay $0x4  }
0x2b: {  	[tilespmem:v3+s7+$0x0] =	vst.idx.add.f32.msk $0xffff, v2  }
0x2c: {  	v3 =	vld [tilespmem:s10+$0x10];
	_ =	sdelay $0x4  }
0x2d: {  	v3 =	vshll.u32 v3, $0x7  }
0x2e: {  	v3 =	vor.u32 v1, v3;
	_ =	sdelay $0x4  }
0x2f: {  	[tilespmem:v3+s7+$0x0] =	vst.idx.add.f32.msk $0xffff, v2  }
0x30: {  	v3 =	vld [tilespmem:s10+$0x20];
	_ =	sdelay $0x4  }
0x31: {  	v3 =	vshll.u32 v3, $0x7  }
0x32: {  	v3 =	vor.u32 v1, v3;
	_ =	sdelay $0x4  }
0x33: {  	[tilespmem:v3+s7+$0x0] =	vst.idx.add.f32.msk $0xffff, v2  }
0x34: {  	v3 =	vld [tilespmem:s10+$0x30];
	_ =	sdelay $0x4  }
0x35: {  	v3 =	vshll.u32 v3, $0x7  }
0x36: {  	v3 =	vor.u32 v1, v3;
	_ =	sdelay $0x4  }
0x37: {  	[tilespmem:v3+s7+$0x0] =	vst.idx.add.f32.msk $0xffff, v2  }
0x38: {  	v3 =	vld [tilespmem:s10+$0x40];
	_ =	sdelay $0x4  }
0x39: {  	v3 =	vshll.u32 v3, $0x7  }
0x3a: {  	v3 =	vor.u32 v1, v3;
	_ =	sdelay $0x4  }
0x3b: {  	[tilespmem:v3+s7+$0x0] =	vst.idx.add.f32.msk $0xffff, v2  }
0x3c: {  	v3 =	vld [tilespmem:s10+$0x50];
	_ =	sdelay $0x4  }
0x3d: {  	v3 =	vshll.u32 v3, $0x7  }
0x3e: {  	v3 =	vor.u32 v1, v3;
	_ =	sdelay $0x4  }
0x3f: {  	[tilespmem:v3+s7+$0x0] =	vst.idx.add.f32.msk $0xffff, v2  }
0x40: {  	v3 =	vld [tilespmem:s10+$0x60];
	_ =	sdelay $0x4  }
0x41: {  	v3 =	vshll.u32 v3, $0x7  }
0x42: {  	v3 =	vor.u32 v1, v3;
	_ =	sdelay $0x4  }
0x43: {  	[tilespmem:v3+s7+$0x0] =	vst.idx.add.f32.msk $0xffff, v2  }
0x44: {  	v3 =	vld [tilespmem:s10+$0x70];
	_ =	sdelay $0x4  }
0x45: {  	v3 =	vshll.u32 v3, $0x7  }
0x46: {  	p0 =	sne.s32 s9, $0x3FE00;
	v3 =	vor.u32 v1, v3  }
.Ltmp0:
0x47: {  	_ = 	snop;
	(pc) =	sbr.rel @p0 .LBB2_2-.Ltmp0, $2  }
0x48: {  	_ =	sdelay $0x2  }
0x49: {  	s9 =	sadd.s32 $0x200, s9;
	[tilespmem:v3+s7+$0x0] =	vst.idx.add.f32.msk $0xffff, v2  }
0x4a: {  	s8 =	sadd.s32 $0x1, s8  }
0x4b: {  	p0 =	sne.s32 s8, s5  }
.Ltmp1:
0x4c: {  	_ = 	snop;
	(pc) =	sbr.rel @p0 .LBB2_1-.Ltmp1, $4  }
0x4d: {  	[hbm4b:s4+s2] =	stream.linear.scatter [tilespmem:s7], [sflag:$0x1], $0xC00, $0x38;
	[tilespmem:$0x10C00] =	vst v63  }
0x4e: {  	_ =	swait.ge [sflag:s6], $0xC00  }
0x4f: {  	[sflag:s6] =	ssyncset.done $0x0  }
0x50: {  	[sflag:s6] =	ssyncadd.s32 $0xFFFFF400  }
0x51: {  	_ =	sfence.sel $0x180000  }
0x52: {  	[bflag:$0x0] =	sbarrier.arrive $0xFFFF  }
0x53: {  	p0 =	sne.s32 s0, $0x0;
	_ =	strace $0x90000047  }
0x54: {  	s0 =	sadd.s32 @!p0 $0x100000, s1;
	[bflag:$0x2] =	sbarrier.arrive $0xFFFF  }
0x55: {  	[sflag:s0] =	ssyncadd.tile.s32 @!p0 $0x1;
	_ =	shalt  }
.Lfunc_end2:
_tile_overlayer_lowered:
.L_overlay_start_2:
0x56: {  	(tag) =	ssettag $0x2  }
0x57: {  	s0 =	rddreg [dreg:$0x0];
	s2 =	stileid.u32  }
0x58: {  	s1 =	rddreg [dreg:$0x1];
	p0 =	sne.s32 s2, $0x0  }
0x59: {  	s3 =	rddreg [dreg:$0x2];
	[bflag:$0x3] =	sbarrier.arrive $0xFFFF;
	s2 =	simm.s32 @!p0 $0x1C01  }
0x5a: {  	[timem:s3], [sflag:s2] =	dma.local @!p0 [hbm:s0], s1  }
0x5b: {  	s0 =	simm.s32 @!p0 $0x1  }
0x5c: {  	_ =	swait.ge @!p0 [sflag:s0], s1  }
0x5d: {  	s1 =	ssub.s32 @!p0 $0x0, s1;
	[sflag:s0] =	ssyncset.done @!p0 $0x0  }
0x5e: {  	[sflag:s0] =	ssyncadd.s32 @!p0 s1  }
0x5f: {  	[bflag:$0x3] =	sbarrier.arrive $0xFFFF  }
0x60: {  	_ =	shalt  }

</sc_bundles>
